<compile_context>
chip_gen: v7x
topology: tpu7x:2x2x1
jax: 0.10.2.dev20260603
libtpu: 0.0.44.dev20260713+nightly
codegen_flags: <defaults>
</compile_context>

<pallas_src>
import functools

import jax
import jax.numpy as jnp
from jax import lax
from jax.experimental import pallas as pl
from jax.experimental.pallas import tpu as pltpu
from jax.experimental.pallas import tpu_sc as plsc

KNN = 32
EPS = 1e-5



def _knn_body(pos_ref, out_ref):
    b = pl.program_id(0)
    p = pos_ref[0]
    n = p.shape[0]
    g = lax.dot_general(p, p, (((1,), (1,)), ((), ())),
                        preferred_element_type=jnp.float32)
    pp = p * p
    sq_r = jnp.sum(pp, axis=1, keepdims=True)
    negd = 2.0 * g - sq_r - sq_r.T
    iota = lax.broadcasted_iota(jnp.int32, (n, n), 1)
    col32 = lax.broadcasted_iota(jnp.int32, (n, KNN), 1)
    base = b * n

    def step(t, carry):
        nd, acc = carry
        m = jnp.max(nd, axis=1, keepdims=True)
        cand = jnp.where(nd == m, iota, n)
        am = jnp.min(cand, axis=1, keepdims=True)
        acc = jnp.where(col32 == t, am + base, acc)
        nd = jnp.where(iota == am, -jnp.inf, nd)
        return nd, acc

    _, acc = lax.fori_loop(0, KNN, step, (negd, jnp.zeros((n, KNN), jnp.int32)))
    out_ref[0] = acc


def _knn(pos_p):
    B, N, _ = pos_p.shape
    return pl.pallas_call(
        _knn_body,
        grid=(B,),
        in_specs=[pl.BlockSpec((1, N, 8), lambda b: (b, 0, 0))],
        out_specs=pl.BlockSpec((1, N, KNN), lambda b: (b, 0, 0)),
        out_shape=jax.ShapeDtypeStruct((B, N, KNN), jnp.int32),
    )(pos_p)



def _gather_rows(table, gidx):
    R = gidx.shape[0]
    h = table.shape[1]
    NW = 32
    per_w = R // NW
    CH = 128
    n_ch = per_w // CH
    mesh = plsc.VectorSubcoreMesh(core_axis_name="c", subcore_axis_name="s")

    @functools.partial(
        pl.kernel, mesh=mesh,
        out_type=jax.ShapeDtypeStruct((R, h), jnp.float32),
        scratch_types=[
            pltpu.VMEM((CH,), jnp.int32),
            pltpu.VMEM((CH, h), jnp.float32),
            pltpu.SemaphoreType.DMA,
        ],
    )
    def k(table_hbm, idx_hbm, out_hbm, idx_v, rows_v, sem):
        wid = lax.axis_index("s") * 2 + lax.axis_index("c")
        base = wid * per_w

        def body(i, c):
            off = base + i * CH
            pltpu.sync_copy(idx_hbm.at[pl.ds(off, CH)], idx_v)
            pltpu.async_copy(table_hbm.at[idx_v], rows_v, sem).wait()
            pltpu.sync_copy(rows_v, out_hbm.at[pl.ds(off, CH)])
            return c

        lax.fori_loop(0, n_ch, body, 0)

    return k(table, gidx)



def _expand_rows(a, rt):
    t, h = a.shape
    return jnp.broadcast_to(a[:, None, :], (t, KNN, h)).reshape(rt, h)


def _edge_y1(xj_ref, f_ref, w1_ref, b1_ref, c_eff):
    rt = xj_ref.shape[0]
    xj = xj_ref[...]
    xi = _expand_rows(f_ref[...], rt)
    if c_eff < 128:
        xj = xj[:, :c_eff]
        xi = xi[:, :c_eff]
    e = jnp.concatenate([xj - xi, xi], axis=1)
    y = jnp.dot(e, w1_ref[...], preferred_element_type=jnp.float32)
    return y + b1_ref[...]


def _bn_affine(y, s_ref, g_ref, be_ref, count):
    mean = s_ref[0:1] * (1.0 / count)
    var = s_ref[1:2] * (1.0 / count) - mean * mean
    sd = jnp.sqrt(var + EPS)
    return (y - mean) / sd * g_ref[...] + be_ref[...]


def _lrelu(f):
    return jnp.where(f >= 0, f, 0.2 * f)


def _stats_body(c_eff, xj_ref, f_ref, w1_ref, b1_ref, out_ref, acc_ref):
    g = pl.program_id(0)
    y = _edge_y1(xj_ref, f_ref, w1_ref, b1_ref, c_eff)
    s = jnp.sum(y, axis=0, keepdims=True)
    q = jnp.sum(y * y, axis=0, keepdims=True)

    @pl.when(g == 0)
    def _():
        acc_ref[...] = jnp.zeros_like(acc_ref)

    acc_ref[0:1] += s
    acc_ref[1:2] += q

    @pl.when(g == pl.num_programs(0) - 1)
    def _():
        out_ref[...] = acc_ref[...]


def _stats(xj, f128, w1, b1, c_eff, t_pts):
    n_pts = f128.shape[0]
    h = w1.shape[1]
    rt = t_pts * KNN
    grid = n_pts // t_pts
    return pl.pallas_call(
        functools.partial(_stats_body, c_eff),
        grid=(grid,),
        in_specs=[
            pl.BlockSpec((rt, 128), lambda i: (i, 0)),
            pl.BlockSpec((t_pts, 128), lambda i: (i, 0)),
            pl.BlockSpec(w1.shape, lambda i: (0, 0)),
            pl.BlockSpec((1, h), lambda i: (0, 0)),
        ],
        out_specs=pl.BlockSpec((8, h), lambda i: (0, 0)),
        out_shape=jax.ShapeDtypeStruct((8, h), jnp.float32),
        scratch_shapes=[pltpu.VMEM((8, h), jnp.float32)],
    )(xj, f128, w1, b1)


def _main_body(count1, c_eff, xj_ref, f_ref, w1_ref, b1_ref, s1_ref, g1_ref,
               be1_ref, w2_ref, b2_ref, mx_ref, mn_ref, out2_ref, acc_ref):
    g = pl.program_id(0)
    t = f_ref.shape[0]
    y1 = _edge_y1(xj_ref, f_ref, w1_ref, b1_ref, c_eff)
    h1 = _lrelu(_bn_affine(y1, s1_ref, g1_ref, be1_ref, count1))
    y2 = jnp.dot(h1, w2_ref[...], preferred_element_type=jnp.float32)
    y2 = y2 + b2_ref[...]
    s = jnp.sum(y2, axis=0, keepdims=True)
    q = jnp.sum(y2 * y2, axis=0, keepdims=True)

    @pl.when(g == 0)
    def _():
        acc_ref[...] = jnp.zeros_like(acc_ref)

    acc_ref[0:1] += s
    acc_ref[1:2] += q

    y3 = y2.reshape(t, KNN, y2.shape[1])
    mx_ref[...] = jnp.max(y3, axis=1)
    mn_ref[...] = jnp.min(y3, axis=1)

    @pl.when(g == pl.num_programs(0) - 1)
    def _():
        out2_ref[...] = acc_ref[...]


def _main(xj, f128, w1, b1, s1, g1, be1, w2, b2, c_eff, t_pts):
    R = xj.shape[0]
    n_pts = f128.shape[0]
    h = w1.shape[1]
    co = w2.shape[1]
    rt = t_pts * KNN
    grid = n_pts // t_pts
    return pl.pallas_call(
        functools.partial(_main_body, float(R), c_eff),
        grid=(grid,),
        in_specs=[
            pl.BlockSpec((rt, 128), lambda i: (i, 0)),
            pl.BlockSpec((t_pts, 128), lambda i: (i, 0)),
            pl.BlockSpec(w1.shape, lambda i: (0, 0)),
            pl.BlockSpec((1, h), lambda i: (0, 0)),
            pl.BlockSpec((8, h), lambda i: (0, 0)),
            pl.BlockSpec((1, h), lambda i: (0, 0)),
            pl.BlockSpec((1, h), lambda i: (0, 0)),
            pl.BlockSpec((h, co), lambda i: (0, 0)),
            pl.BlockSpec((1, co), lambda i: (0, 0)),
        ],
        out_specs=[
            pl.BlockSpec((t_pts, co), lambda i: (i, 0)),
            pl.BlockSpec((t_pts, co), lambda i: (i, 0)),
            pl.BlockSpec((8, co), lambda i: (0, 0)),
        ],
        out_shape=[
            jax.ShapeDtypeStruct((n_pts, co), jnp.float32),
            jax.ShapeDtypeStruct((n_pts, co), jnp.float32),
            jax.ShapeDtypeStruct((8, co), jnp.float32),
        ],
        scratch_shapes=[pltpu.VMEM((8, co), jnp.float32)],
    )(xj, f128, w1, b1, s1, g1, be1, w2, b2)


def _pool_bn(mx_ref, mn_ref, s2_ref, g2_ref, be2_ref, count):
    sel = jnp.where(g2_ref[...] >= 0, mx_ref[...], mn_ref[...])
    return _lrelu(_bn_affine(sel, s2_ref, g2_ref, be2_ref, count))


def _fin_body(count, mx_ref, mn_ref, s2_ref, g2_ref, be2_ref, out_ref):
    f = _pool_bn(mx_ref, mn_ref, s2_ref, g2_ref, be2_ref, count)
    co = f.shape[1]
    if co < 128:
        f = jnp.concatenate([f, jnp.zeros((f.shape[0], 128 - co), f.dtype)],
                            axis=1)
    out_ref[...] = f


def _fin(mx, mn, s2, g2, be2, count):
    n_pts = mx.shape[0]
    return pl.pallas_call(
        functools.partial(_fin_body, count),
        out_shape=jax.ShapeDtypeStruct((n_pts, 128), jnp.float32),
    )(mx, mn, s2, g2, be2)



def _bn_lrelu(y, gg, bb):
    n = y.shape[0]
    mean = jnp.sum(y, axis=0, keepdims=True) * (1.0 / n)
    var = jnp.sum(y * y, axis=0, keepdims=True) * (1.0 / n) - mean * mean
    sd = jnp.sqrt(var + EPS)
    return _lrelu((y - mean) / sd * gg + bb)


def _head_body(count, mx_ref, mn_ref, s2_ref, g2_ref, be2_ref,
               w1_ref, b1_ref, g1_ref, be1_ref,
               w2_ref, b2_ref, gg2_ref, bee2_ref,
               w3_ref, b3_ref, out_ref):
    f = _pool_bn(mx_ref, mn_ref, s2_ref, g2_ref, be2_ref, count)
    y = jnp.dot(f, w1_ref[...], preferred_element_type=jnp.float32) + b1_ref[...]
    f = _bn_lrelu(y, g1_ref[...], be1_ref[...])
    y = jnp.dot(f, w2_ref[...], preferred_element_type=jnp.float32) + b2_ref[...]
    f = _bn_lrelu(y, gg2_ref[...], bee2_ref[...])
    out_ref[...] = (jnp.dot(f, w3_ref[...], preferred_element_type=jnp.float32)
                    + b3_ref[...])


def _head(mx, mn, s2, g2, be2, w1, b1, g1, be1, w2, b2, gg2, bee2, w3, b3,
          count):
    n_pts = mx.shape[0]
    return pl.pallas_call(
        functools.partial(_head_body, count),
        out_shape=jax.ShapeDtypeStruct((n_pts, w3.shape[1]), jnp.float32),
    )(mx, mn, s2, g2, be2, w1, b1, g1, be1, w2, b2, gg2, bee2, w3, b3)



def _edge_block(f128, gidx, w1, b1, g1, be1, w2, b2, c_eff, t_pts):
    R = float(gidx.shape[0])
    xj = _gather_rows(f128, gidx)
    s1 = _stats(xj, f128, w1, b1[None], c_eff, t_pts)
    return _main(xj, f128, w1, b1[None], s1, g1[None], be1[None], w2, b2[None],
                 c_eff, t_pts)


def kernel(x, pos, c1_w1, c1_b1, c1_g1, c1_be1, c1_w2, c1_b2, c1_g2, c1_be2,
           c2_w1, c2_b1, c2_g1, c2_be1, c2_w2, c2_b2, c2_g2, c2_be2,
           c3_w1, c3_b1, c3_g1, c3_be1, c3_w2, c3_b2, c3_g2, c3_be2,
           f_w1, f_b1, f_g1, f_be1, f_w2, f_b2, f_g2, f_be2, f_w3, f_b3):
    B, N, _ = x.shape
    n_pts = B * N
    R = float(n_pts * KNN)

    pos_p = jnp.pad(pos, ((0, 0), (0, 0), (0, 5)))
    gidx = _knn(pos_p).reshape(n_pts * KNN)

    f1 = jnp.pad(x.reshape(n_pts, 3), ((0, 0), (0, 125)))
    w1p = jnp.concatenate([
        jnp.pad(c1_w1[:3], ((0, 125), (0, 0))),
        jnp.pad(c1_w1[3:], ((0, 125), (0, 0))),
    ])
    mx, mn, s2 = _edge_block(f1, gidx, w1p, c1_b1, c1_g1, c1_be1, c1_w2,
                             c1_b2, 128, 64)
    f2 = _fin(mx, mn, s2, c1_g2[None], c1_be2[None], R)

    mx, mn, s2 = _edge_block(f2, gidx, c2_w1, c2_b1, c2_g1, c2_be1, c2_w2,
                             c2_b2, 64, 64)
    f3 = _fin(mx, mn, s2, c2_g2[None], c2_be2[None], R)

    mx, mn, s2 = _edge_block(f3, gidx, c3_w1, c3_b1, c3_g1, c3_be1, c3_w2,
                             c3_b2, 128, 16)

    out = _head(mx, mn, s2, c3_g2[None], c3_be2[None],
                f_w1, f_b1[None], f_g1[None], f_be1[None],
                f_w2, f_b2[None], f_g2[None], f_be2[None],
                f_w3, f_b3[None], R)
    return out.reshape(B, N, 12)

# --- scband reference (transcript-rebuilt; emitter-appended) ---
"""Pipeline reference for scband-dgcnn-65859028517342 (READ-ONLY COPY).

The authoritative reference and input builder live on the scoring server;
editing this copy changes nothing except your own understanding.
"""

import jax, jax.numpy as jnp
import numpy as np

K = 32

def knn(pos, k):
    sq = jnp.sum(pos * pos, axis=-1)
    neg_d = -(sq[:, :, None] - 2.0 * jnp.einsum('bnc,bmc->bnm', pos, pos) + sq[:, None, :])
    _, idx = jax.lax.top_k(neg_d, k)
    return idx

def bn(x, g, b):
    ax = tuple(range(x.ndim - 1))
    m = jnp.mean(x, axis=ax, keepdims=True)
    v = jnp.var(x, axis=ax, keepdims=True)
    return (x - m) / jnp.sqrt(v + 1e-5) * g + b

def lrelu(x):
    return jnp.where(x >= 0, x, 0.2 * x)

def edge_block(x, idx, w1, b1, g1, be1, w2, b2, g2, be2):
    B, N, C = x.shape
    k = idx.shape[-1]
    xj = jax.vmap(lambda xb, ib: xb[ib])(x, idx)
    xi = jnp.broadcast_to(x[:, :, None, :], (B, N, k, C))
    e = jnp.concatenate([xj - xi, xi], axis=-1)
    h = lrelu(bn(e @ w1 + b1, g1, be1))
    h = lrelu(bn(h @ w2 + b2, g2, be2))
    return jnp.max(h, axis=2)

def _mk(key, shape, scale=0.05):
    return scale * jax.random.normal(key, shape, jnp.float32)

def setup_inputs(seed: int = 0):
    key = jax.random.key(seed)
    ks = jax.random.split(key, 40)
    B, N = 2, 1024
    d = {}
    d['x'] = jax.random.normal(ks[0], (B, N, 3), jnp.float32)
    d['pos'] = jax.random.normal(ks[35], (B, N, 3), jnp.float32)
    dims = [(3, 64, 64), (64, 64, 128), (128, 128, 1024)]
    i = 1
    for bi, (cin, h, co) in enumerate(dims, start=1):
        d['c%d_w1' % bi] = _mk(ks[i], (2 * cin, h)); i += 1
        d['c%d_b1' % bi] = jnp.zeros((h,), jnp.float32)
        d['c%d_g1' % bi] = jnp.ones((h,), jnp.float32)
        d['c%d_be1' % bi] = jnp.zeros((h,), jnp.float32)
        d['c%d_w2' % bi] = _mk(ks[i], (h, co)); i += 1
        d['c%d_b2' % bi] = jnp.zeros((co,), jnp.float32)
        d['c%d_g2' % bi] = jnp.ones((co,), jnp.float32)
        d['c%d_be2' % bi] = jnp.zeros((co,), jnp.float32)
    d['f_w1'] = _mk(ks[i], (1024, 512)); i += 1
    d['f_b1'] = jnp.zeros((512,), jnp.float32)
    d['f_g1'] = jnp.ones((512,), jnp.float32)
    d['f_be1'] = jnp.zeros((512,), jnp.float32)
    d['f_w2'] = _mk(ks[i], (512, 256)); i += 1
    d['f_b2'] = jnp.zeros((256,), jnp.float32)
    d['f_g2'] = jnp.ones((256,), jnp.float32)
    d['f_be2'] = jnp.zeros((256,), jnp.float32)
    d['f_w3'] = _mk(ks[i], (256, 12)); i += 1
    d['f_b3'] = jnp.zeros((12,), jnp.float32)
    return d

def reference(x, pos, c1_w1, c1_b1, c1_g1, c1_be1, c1_w2, c1_b2, c1_g2, c1_be2, c2_w1, c2_b1, c2_g1, c2_be1, c2_w2, c2_b2, c2_g2, c2_be2, c3_w1, c3_b1, c3_g1, c3_be1, c3_w2, c3_b2, c3_g2, c3_be2, f_w1, f_b1, f_g1, f_be1, f_w2, f_b2, f_g2, f_be2, f_w3, f_b3):
    idx = knn(pos, K)
    h = edge_block(x, idx, c1_w1, c1_b1, c1_g1, c1_be1, c1_w2, c1_b2, c1_g2, c1_be2)
    h = edge_block(h, idx, c2_w1, c2_b1, c2_g1, c2_be1, c2_w2, c2_b2, c2_g2, c2_be2)
    h = edge_block(h, idx, c3_w1, c3_b1, c3_g1, c3_be1, c3_w2, c3_b2, c3_g2, c3_be2)
    f = lrelu(bn(h @ f_w1 + f_b1, f_g1, f_be1))
    f = lrelu(bn(f @ f_w2 + f_b2, f_g2, f_be2))
    return f @ f_w3 + f_b3

if __name__ == "__main__":
    import jax
    _d = setup_inputs()
    print(jax.jit(kernel)(*tuple(_d.values())))

</pallas_src>

<mosaic_0001>
#map = affine_map<(d0, d1) -> (0, 0)>
#map1 = affine_map<(d0, d1) -> (0)>
module attributes {stable_mosaic.version = 14 : i64} {
  func.func @k(%arg0: i32, %arg1: i32, %arg2: memref<2048x128xf32, #tpu.memory_space<hbm>>, %arg3: memref<65536xi32, #tpu.memory_space<hbm>>, %arg4: memref<65536x128xf32, #tpu.memory_space<hbm>>, %arg5: memref<128xi32, #tpu.memory_space<vmem>>, %arg6: memref<128x128xf32, #tpu.memory_space<vmem>>, %arg7: memref<!tpu.dma_semaphore, #tpu.memory_space<semaphore_mem>>) attributes {dimension_semantics = [#tpu.dimension_semantics<core_parallel>, #tpu.dimension_semantics<subcore_parallel>], iteration_bounds = array<i64: 2, 16>, scalar_prefetch = 0 : i64, scratch_operands = 3 : i64, tpu.core_type = #tpu.core_type<sc_vector_subcore>, window_params = [{transform_indices = #map}, {transform_indices = #map1}, {transform_indices = #map}]} {
    %mul3A = arith.constant 2 : i32
    %mul3A_0 = arith.muli %arg1, %mul3A : i32
    %add3A = arith.addi %mul3A_0, %arg0 : i32
    %mul3A_1 = arith.constant 2048 : i32
    %mul3A_2 = arith.muli %add3A, %mul3A_1 : i32
    %scan3A = arith.constant 0 : i32
    %scan3A_3 = arith.constant 0 : i32
    %scan3A_4 = arith.constant 16 : i32
    %scan3A_5 = arith.addi %scan3A_3, %scan3A_4 : i32
    %scan3A_6 = arith.constant 1 : i32
    scf.for %scan3A_8 = %scan3A_3 to %scan3A_5 step %scan3A_6  : i32 {
      %mul3A_9 = arith.constant 128 : i32
      %mul3A_10 = arith.muli %scan3A_8, %mul3A_9 : i32
      %add3A_11 = arith.addi %mul3A_2, %mul3A_10 : i32
      "tpu.region"() ({
        %run_scoped3A = tpu.sem_alloc : memref<!tpu.dma_semaphore, #tpu.memory_space<semaphore_mem>>
        %dma_start3A_16 = tpu.memref_slice %arg3[%add3A_11] : memref<65536xi32, #tpu.memory_space<hbm>> -> memref<128xi32, #tpu.memory_space<hbm>>
        %dma_start3A_17 = tpu.memref_slice %arg3[%add3A_11] : memref<65536xi32, #tpu.memory_space<hbm>> -> memref<128xi32, #tpu.memory_space<hbm>>
        tpu.enqueue_dma source(%dma_start3A_17 : memref<128xi32, #tpu.memory_space<hbm>>) target(%arg5 : memref<128xi32, #tpu.memory_space<vmem>>) target_semaphore(%run_scoped3A : memref<!tpu.dma_semaphore, #tpu.memory_space<semaphore_mem>>)
        %dma_wait3A_18 = tpu.memref_slice %arg3[%add3A_11] : memref<65536xi32, #tpu.memory_space<hbm>> -> memref<128xi32, #tpu.memory_space<hbm>>
        %dma_wait3A_19 = tpu.memref_slice %arg3[%add3A_11] : memref<65536xi32, #tpu.memory_space<hbm>> -> memref<128xi32, #tpu.memory_space<hbm>>
        tpu.wait_dma2 semaphore(%run_scoped3A : memref<!tpu.dma_semaphore, #tpu.memory_space<semaphore_mem>>) src(%dma_wait3A_19 : memref<128xi32, #tpu.memory_space<hbm>>) dst(%arg5 : memref<128xi32, #tpu.memory_space<vmem>>)
        tpu.yield
      }) : () -> ()
      %dma_start3A = arith.constant 0 : i32
      %dma_start3A_12 = arith.constant 0 : i32
      %dma_start3A_13 = tpu.memref_slice %arg2[%dma_start3A, %dma_start3A_12] : memref<2048x128xf32, #tpu.memory_space<hbm>> -> memref<2048x128xf32, #tpu.memory_space<hbm>>
      tpu.enqueue_indirect_dma source(%dma_start3A_13 : memref<2048x128xf32, #tpu.memory_space<hbm>>) target(%arg6 : memref<128x128xf32, #tpu.memory_space<vmem>>) offsets(%arg5 : memref<128xi32, #tpu.memory_space<vmem>>) semaphore(%arg7 : memref<!tpu.dma_semaphore, #tpu.memory_space<semaphore_mem>>)
      %dma_wait3A = arith.constant 0 : i32
      %dma_wait3A_14 = arith.constant 0 : i32
      %dma_wait3A_15 = tpu.memref_slice %arg2[%dma_wait3A, %dma_wait3A_14] : memref<2048x128xf32, #tpu.memory_space<hbm>> -> memref<2048x128xf32, #tpu.memory_space<hbm>>
      tpu.wait_indirect_dma semaphore(%arg7 : memref<!tpu.dma_semaphore, #tpu.memory_space<semaphore_mem>>) src(%dma_wait3A_15 : memref<2048x128xf32, #tpu.memory_space<hbm>>) dst(%arg6 : memref<128x128xf32, #tpu.memory_space<vmem>>)
      "tpu.region"() ({
        %run_scoped3A = tpu.sem_alloc : memref<!tpu.dma_semaphore, #tpu.memory_space<semaphore_mem>>
        %dma_start3A_16 = arith.constant 0 : i32
        %dma_start3A_17 = tpu.memref_slice %arg4[%add3A_11, %dma_start3A_16] : memref<65536x128xf32, #tpu.memory_space<hbm>> -> memref<128x128xf32, #tpu.memory_space<hbm>>
        %dma_start3A_18 = arith.constant 0 : i32
        %dma_start3A_19 = tpu.memref_slice %arg4[%add3A_11, %dma_start3A_18] : memref<65536x128xf32, #tpu.memory_space<hbm>> -> memref<128x128xf32, #tpu.memory_space<hbm>>
        tpu.enqueue_dma source(%arg6 : memref<128x128xf32, #tpu.memory_space<vmem>>) target(%dma_start3A_19 : memref<128x128xf32, #tpu.memory_space<hbm>>) target_semaphore(%run_scoped3A : memref<!tpu.dma_semaphore, #tpu.memory_space<semaphore_mem>>)
        %dma_wait3A_20 = arith.constant 0 : i32
        %dma_wait3A_21 = tpu.memref_slice %arg4[%add3A_11, %dma_wait3A_20] : memref<65536x128xf32, #tpu.memory_space<hbm>> -> memref<128x128xf32, #tpu.memory_space<hbm>>
        %dma_wait3A_22 = arith.constant 0 : i32
        %dma_wait3A_23 = tpu.memref_slice %arg4[%add3A_11, %dma_wait3A_22] : memref<65536x128xf32, #tpu.memory_space<hbm>> -> memref<128x128xf32, #tpu.memory_space<hbm>>
        tpu.wait_dma2 semaphore(%run_scoped3A : memref<!tpu.dma_semaphore, #tpu.memory_space<semaphore_mem>>) src(%arg6 : memref<128x128xf32, #tpu.memory_space<vmem>>) dst(%dma_wait3A_23 : memref<128x128xf32, #tpu.memory_space<hbm>>)
        tpu.yield
      }) : () -> ()
    }
    %scan3A_7 = arith.constant 16 : i32
    return
  }
}

#map = affine_map<(d0, d1) -> (0, 0)>
#map1 = affine_map<(d0, d1) -> (0)>
module attributes {stable_mosaic.version = 14 : i64} {
  func.func @k(%arg0: i32, %arg1: i32, %arg2: memref<2048x128xf32, #tpu.memory_space<hbm>>, %arg3: memref<65536xi32, #tpu.memory_space<hbm>>, %arg4: memref<65536x128xf32, #tpu.memory_space<hbm>>, %arg5: memref<128xi32, #tpu.memory_space<vmem>>, %arg6: memref<128x128xf32, #tpu.memory_space<vmem>>, %arg7: memref<!tpu.dma_semaphore, #tpu.memory_space<semaphore_mem>>) attributes {dimension_semantics = [#tpu.dimension_semantics<core_parallel>, #tpu.dimension_semantics<subcore_parallel>], iteration_bounds = array<i64: 2, 16>, scalar_prefetch = 0 : i64, scratch_operands = 3 : i64, tpu.core_type = #tpu.core_type<sc_vector_subcore>, window_params = [{transform_indices = #map}, {transform_indices = #map1}, {transform_indices = #map}]} {
    %mul3A = arith.constant 2 : i32
    %mul3A_0 = arith.muli %arg1, %mul3A : i32
    %add3A = arith.addi %mul3A_0, %arg0 : i32
    %mul3A_1 = arith.constant 2048 : i32
    %mul3A_2 = arith.muli %add3A, %mul3A_1 : i32
    %scan3A = arith.constant 0 : i32
    %scan3A_3 = arith.constant 0 : i32
    %scan3A_4 = arith.constant 16 : i32
    %scan3A_5 = arith.addi %scan3A_3, %scan3A_4 : i32
    %scan3A_6 = arith.constant 1 : i32
    scf.for %scan3A_8 = %scan3A_3 to %scan3A_5 step %scan3A_6  : i32 {
      %mul3A_9 = arith.constant 128 : i32
      %mul3A_10 = arith.muli %scan3A_8, %mul3A_9 : i32
      %add3A_11 = arith.addi %mul3A_2, %mul3A_10 : i32
      "tpu.region"() ({
        %run_scoped3A = tpu.sem_alloc : memref<!tpu.dma_semaphore, #tpu.memory_space<semaphore_mem>>
        %dma_start3A_16 = tpu.memref_slice %arg3[%add3A_11] : memref<65536xi32, #tpu.memory_space<hbm>> -> memref<128xi32, #tpu.memory_space<hbm>>
        %dma_start3A_17 = tpu.memref_slice %arg3[%add3A_11] : memref<65536xi32, #tpu.memory_space<hbm>> -> memref<128xi32, #tpu.memory_space<hbm>>
        tpu.enqueue_dma source(%dma_start3A_17 : memref<128xi32, #tpu.memory_space<hbm>>) target(%arg5 : memref<128xi32, #tpu.memory_space<vmem>>) target_semaphore(%run_scoped3A : memref<!tpu.dma_semaphore, #tpu.memory_space<semaphore_mem>>)
        %dma_wait3A_18 = tpu.memref_slice %arg3[%add3A_11] : memref<65536xi32, #tpu.memory_space<hbm>> -> memref<128xi32, #tpu.memory_space<hbm>>
        %dma_wait3A_19 = tpu.memref_slice %arg3[%add3A_11] : memref<65536xi32, #tpu.memory_space<hbm>> -> memref<128xi32, #tpu.memory_space<hbm>>
        tpu.wait_dma2 semaphore(%run_scoped3A : memref<!tpu.dma_semaphore, #tpu.memory_space<semaphore_mem>>) src(%dma_wait3A_19 : memref<128xi32, #tpu.memory_space<hbm>>) dst(%arg5 : memref<128xi32, #tpu.memory_space<vmem>>)
        tpu.yield
      }) : () -> ()
      %dma_start3A = arith.constant 0 : i32
      %dma_start3A_12 = arith.constant 0 : i32
      %dma_start3A_13 = tpu.memref_slice %arg2[%dma_start3A, %dma_start3A_12] : memref<2048x128xf32, #tpu.memory_space<hbm>> -> memref<2048x128xf32, #tpu.memory_space<hbm>>
      tpu.enqueue_indirect_dma source(%dma_start3A_13 : memref<2048x128xf32, #tpu.memory_space<hbm>>) target(%arg6 : memref<128x128xf32, #tpu.memory_space<vmem>>) offsets(%arg5 : memref<128xi32, #tpu.memory_space<vmem>>) semaphore(%arg7 : memref<!tpu.dma_semaphore, #tpu.memory_space<semaphore_mem>>)
      %dma_wait3A = arith.constant 0 : i32
      %dma_wait3A_14 = arith.constant 0 : i32
      %dma_wait3A_15 = tpu.memref_slice %arg2[%dma_wait3A, %dma_wait3A_14] : memref<2048x128xf32, #tpu.memory_space<hbm>> -> memref<2048x128xf32, #tpu.memory_space<hbm>>
      tpu.wait_indirect_dma semaphore(%arg7 : memref<!tpu.dma_semaphore, #tpu.memory_space<semaphore_mem>>) src(%dma_wait3A_15 : memref<2048x128xf32, #tpu.memory_space<hbm>>) dst(%arg6 : memref<128x128xf32, #tpu.memory_space<vmem>>)
      "tpu.region"() ({
        %run_scoped3A = tpu.sem_alloc : memref<!tpu.dma_semaphore, #tpu.memory_space<semaphore_mem>>
        %dma_start3A_16 = arith.constant 0 : i32
        %dma_start3A_17 = tpu.memref_slice %arg4[%add3A_11, %dma_start3A_16] : memref<65536x128xf32, #tpu.memory_space<hbm>> -> memref<128x128xf32, #tpu.memory_space<hbm>>
        %dma_start3A_18 = arith.constant 0 : i32
        %dma_start3A_19 = tpu.memref_slice %arg4[%add3A_11, %dma_start3A_18] : memref<65536x128xf32, #tpu.memory_space<hbm>> -> memref<128x128xf32, #tpu.memory_space<hbm>>
        tpu.enqueue_dma source(%arg6 : memref<128x128xf32, #tpu.memory_space<vmem>>) target(%dma_start3A_19 : memref<128x128xf32, #tpu.memory_space<hbm>>) target_semaphore(%run_scoped3A : memref<!tpu.dma_semaphore, #tpu.memory_space<semaphore_mem>>)
        %dma_wait3A_20 = arith.constant 0 : i32
        %dma_wait3A_21 = tpu.memref_slice %arg4[%add3A_11, %dma_wait3A_20] : memref<65536x128xf32, #tpu.memory_space<hbm>> -> memref<128x128xf32, #tpu.memory_space<hbm>>
        %dma_wait3A_22 = arith.constant 0 : i32
        %dma_wait3A_23 = tpu.memref_slice %arg4[%add3A_11, %dma_wait3A_22] : memref<65536x128xf32, #tpu.memory_space<hbm>> -> memref<128x128xf32, #tpu.memory_space<hbm>>
        tpu.wait_dma2 semaphore(%run_scoped3A : memref<!tpu.dma_semaphore, #tpu.memory_space<semaphore_mem>>) src(%arg6 : memref<128x128xf32, #tpu.memory_space<vmem>>) dst(%dma_wait3A_23 : memref<128x128xf32, #tpu.memory_space<hbm>>)
        tpu.yield
      }) : () -> ()
    }
    %scan3A_7 = arith.constant 16 : i32
    return
  }
}

#map = affine_map<(d0, d1) -> (0, 0)>
#map1 = affine_map<(d0, d1) -> (0)>
module attributes {stable_mosaic.version = 14 : i64} {
  func.func @k(%arg0: i32, %arg1: i32, %arg2: memref<2048x128xf32, #tpu.memory_space<hbm>>, %arg3: memref<65536xi32, #tpu.memory_space<hbm>>, %arg4: memref<65536x128xf32, #tpu.memory_space<hbm>>, %arg5: memref<128xi32, #tpu.memory_space<vmem>>, %arg6: memref<128x128xf32, #tpu.memory_space<vmem>>, %arg7: memref<!tpu.dma_semaphore, #tpu.memory_space<semaphore_mem>>) attributes {dimension_semantics = [#tpu.dimension_semantics<core_parallel>, #tpu.dimension_semantics<subcore_parallel>], iteration_bounds = array<i64: 2, 16>, scalar_prefetch = 0 : i64, scratch_operands = 3 : i64, tpu.core_type = #tpu.core_type<sc_vector_subcore>, window_params = [{transform_indices = #map}, {transform_indices = #map1}, {transform_indices = #map}]} {
    %mul3A = arith.constant 2 : i32
    %mul3A_0 = arith.muli %arg1, %mul3A : i32
    %add3A = arith.addi %mul3A_0, %arg0 : i32
    %mul3A_1 = arith.constant 2048 : i32
    %mul3A_2 = arith.muli %add3A, %mul3A_1 : i32
    %scan3A = arith.constant 0 : i32
    %scan3A_3 = arith.constant 0 : i32
    %scan3A_4 = arith.constant 16 : i32
    %scan3A_5 = arith.addi %scan3A_3, %scan3A_4 : i32
    %scan3A_6 = arith.constant 1 : i32
    scf.for %scan3A_8 = %scan3A_3 to %scan3A_5 step %scan3A_6  : i32 {
      %mul3A_9 = arith.constant 128 : i32
      %mul3A_10 = arith.muli %scan3A_8, %mul3A_9 : i32
      %add3A_11 = arith.addi %mul3A_2, %mul3A_10 : i32
      "tpu.region"() ({
        %run_scoped3A = tpu.sem_alloc : memref<!tpu.dma_semaphore, #tpu.memory_space<semaphore_mem>>
        %dma_start3A_16 = tpu.memref_slice %arg3[%add3A_11] : memref<65536xi32, #tpu.memory_space<hbm>> -> memref<128xi32, #tpu.memory_space<hbm>>
        %dma_start3A_17 = tpu.memref_slice %arg3[%add3A_11] : memref<65536xi32, #tpu.memory_space<hbm>> -> memref<128xi32, #tpu.memory_space<hbm>>
        tpu.enqueue_dma source(%dma_start3A_17 : memref<128xi32, #tpu.memory_space<hbm>>) target(%arg5 : memref<128xi32, #tpu.memory_space<vmem>>) target_semaphore(%run_scoped3A : memref<!tpu.dma_semaphore, #tpu.memory_space<semaphore_mem>>)
        %dma_wait3A_18 = tpu.memref_slice %arg3[%add3A_11] : memref<65536xi32, #tpu.memory_space<hbm>> -> memref<128xi32, #tpu.memory_space<hbm>>
        %dma_wait3A_19 = tpu.memref_slice %arg3[%add3A_11] : memref<65536xi32, #tpu.memory_space<hbm>> -> memref<128xi32, #tpu.memory_space<hbm>>
        tpu.wait_dma2 semaphore(%run_scoped3A : memref<!tpu.dma_semaphore, #tpu.memory_space<semaphore_mem>>) src(%dma_wait3A_19 : memref<128xi32, #tpu.memory_space<hbm>>) dst(%arg5 : memref<128xi32, #tpu.memory_space<vmem>>)
        tpu.yield
      }) : () -> ()
      %dma_start3A = arith.constant 0 : i32
      %dma_start3A_12 = arith.constant 0 : i32
      %dma_start3A_13 = tpu.memref_slice %arg2[%dma_start3A, %dma_start3A_12] : memref<2048x128xf32, #tpu.memory_space<hbm>> -> memref<2048x128xf32, #tpu.memory_space<hbm>>
      tpu.enqueue_indirect_dma source(%dma_start3A_13 : memref<2048x128xf32, #tpu.memory_space<hbm>>) target(%arg6 : memref<128x128xf32, #tpu.memory_space<vmem>>) offsets(%arg5 : memref<128xi32, #tpu.memory_space<vmem>>) semaphore(%arg7 : memref<!tpu.dma_semaphore, #tpu.memory_space<semaphore_mem>>)
      %dma_wait3A = arith.constant 0 : i32
      %dma_wait3A_14 = arith.constant 0 : i32
      %dma_wait3A_15 = tpu.memref_slice %arg2[%dma_wait3A, %dma_wait3A_14] : memref<2048x128xf32, #tpu.memory_space<hbm>> -> memref<2048x128xf32, #tpu.memory_space<hbm>>
      tpu.wait_indirect_dma semaphore(%arg7 : memref<!tpu.dma_semaphore, #tpu.memory_space<semaphore_mem>>) src(%dma_wait3A_15 : memref<2048x128xf32, #tpu.memory_space<hbm>>) dst(%arg6 : memref<128x128xf32, #tpu.memory_space<vmem>>)
      "tpu.region"() ({
        %run_scoped3A = tpu.sem_alloc : memref<!tpu.dma_semaphore, #tpu.memory_space<semaphore_mem>>
        %dma_start3A_16 = arith.constant 0 : i32
        %dma_start3A_17 = tpu.memref_slice %arg4[%add3A_11, %dma_start3A_16] : memref<65536x128xf32, #tpu.memory_space<hbm>> -> memref<128x128xf32, #tpu.memory_space<hbm>>
        %dma_start3A_18 = arith.constant 0 : i32
        %dma_start3A_19 = tpu.memref_slice %arg4[%add3A_11, %dma_start3A_18] : memref<65536x128xf32, #tpu.memory_space<hbm>> -> memref<128x128xf32, #tpu.memory_space<hbm>>
        tpu.enqueue_dma source(%arg6 : memref<128x128xf32, #tpu.memory_space<vmem>>) target(%dma_start3A_19 : memref<128x128xf32, #tpu.memory_space<hbm>>) target_semaphore(%run_scoped3A : memref<!tpu.dma_semaphore, #tpu.memory_space<semaphore_mem>>)
        %dma_wait3A_20 = arith.constant 0 : i32
        %dma_wait3A_21 = tpu.memref_slice %arg4[%add3A_11, %dma_wait3A_20] : memref<65536x128xf32, #tpu.memory_space<hbm>> -> memref<128x128xf32, #tpu.memory_space<hbm>>
        %dma_wait3A_22 = arith.constant 0 : i32
        %dma_wait3A_23 = tpu.memref_slice %arg4[%add3A_11, %dma_wait3A_22] : memref<65536x128xf32, #tpu.memory_space<hbm>> -> memref<128x128xf32, #tpu.memory_space<hbm>>
        tpu.wait_dma2 semaphore(%run_scoped3A : memref<!tpu.dma_semaphore, #tpu.memory_space<semaphore_mem>>) src(%arg6 : memref<128x128xf32, #tpu.memory_space<vmem>>) dst(%dma_wait3A_23 : memref<128x128xf32, #tpu.memory_space<hbm>>)
        tpu.yield
      }) : () -> ()
    }
    %scan3A_7 = arith.constant 16 : i32
    return
  }
}

module attributes {stable_mosaic.version = 14 : i64} {
  func.func @_knn_body(%arg0: i32, %arg1: memref<1x1024x8xf32, #tpu.memory_space<vmem>>, %arg2: memref<1x1024x32xi32, #tpu.memory_space<vmem>>) attributes {dimension_semantics = [#tpu.dimension_semantics<arbitrary>], iteration_bounds = array<i64: 2>, scalar_prefetch = 0 : i64, scratch_operands = 0 : i64, tpu.core_type = #tpu.core_type<tc>, window_params = [{transform_indices = @transform_0, window_bounds = array<i64: 1, 1024, 8>}, {transform_indices = @transform_1, window_bounds = array<i64: 1, 1024, 32>}]} {
    %get3A = arith.constant 0 : index
    %get3A_0 = arith.constant 0 : index
    %get3A_1 = arith.constant 0 : index
    %get3A_2 = vector.load %arg1[%get3A, %get3A_0, %get3A_1] : memref<1x1024x8xf32, #tpu.memory_space<vmem>>, vector<1x1024x8xf32>
    %get3A_3 = vector.shape_cast %get3A_2 : vector<1x1024x8xf32> to vector<1024x8xf32>
    %dot_general3A = arith.constant dense<0.000000e+00> : vector<1024x1024xf32>
    %dot_general3A_4 = tpu.matmul %get3A_3, %get3A_3, %dot_general3A {dimension_numbers = #tpu.dot_dimension_numbers<[1], [1], [0], [0], [0, 0, 1, 0], [], []>, transpose_lhs_hint = false} : vector<1024x8xf32>, vector<1024x8xf32>, vector<1024x1024xf32> -> vector<1024x1024xf32>
    %mul3A = arith.mulf %get3A_3, %get3A_3 : vector<1024x8xf32>
    %reduce_sum3A = arith.constant dense<0.000000e+00> : vector<1024xf32>
    %reduce_sum3A_5 = vector.multi_reduction <add>, %mul3A, %reduce_sum3A [1] : vector<1024x8xf32> to vector<1024xf32>
    %broadcast_in_dim3A = vector.shape_cast %reduce_sum3A_5 : vector<1024xf32> to vector<1024x1xf32>
    %mul3A_6 = arith.constant 2.000000e+00 : f32
    %mul3A_7 = vector.broadcast %mul3A_6 : f32 to vector<1024x1024xf32>
    %mul3A_8 = arith.mulf %mul3A_7, %dot_general3A_4 : vector<1024x1024xf32>
    %sub3A = vector.broadcast %broadcast_in_dim3A : vector<1024x1xf32> to vector<1024x1024xf32>
    %sub3A_9 = arith.subf %mul3A_8, %sub3A : vector<1024x1024xf32>
    %transpose3A = tpu.transpose %broadcast_in_dim3A, [1, 0] : vector<1024x1xf32> -> vector<1x1024xf32>
    %sub3A_10 = vector.broadcast %transpose3A : vector<1x1024xf32> to vector<1024x1024xf32>
    %sub3A_11 = arith.subf %sub3A_9, %sub3A_10 : vector<1024x1024xf32>
    %iota3A = tpu.iota {dimensions = array<i32: 1>} : vector<1024x1024xi32>
    %iota3A_12 = tpu.iota {dimensions = array<i32: 1>} : vector<1024x32xi32>
    %mul3A_13 = arith.constant 1024 : i32
    %mul3A_14 = arith.muli %arg0, %mul3A_13 : i32
    %broadcast_in_dim3A_15 = arith.constant 0 : i32
    %broadcast_in_dim3A_16 = vector.broadcast %broadcast_in_dim3A_15 : i32 to vector<1024x32xi32>
    %scan3A = arith.constant 0 : i32
    %scan3A_17 = arith.constant 32 : i32
    %scan3A_18 = arith.addi %scan3A, %scan3A_17 : i32
    %scan3A_19 = arith.constant 1 : i32
    %scan3A_20:2 = scf.for %scan3A_27 = %scan3A to %scan3A_18 step %scan3A_19 iter_args(%scan3A_28 = %sub3A_11, %scan3A_29 = %broadcast_in_dim3A_16) -> (vector<1024x1024xf32>, vector<1024x32xi32>)  : i32 {
      %reduce_max3A = arith.constant dense<0xFF800000> : vector<1024xf32>
      %reduce_max3A_30 = vector.multi_reduction <maximumf>, %scan3A_28, %reduce_max3A [1] : vector<1024x1024xf32> to vector<1024xf32>
      %broadcast_in_dim3A_31 = vector.shape_cast %reduce_max3A_30 : vector<1024xf32> to vector<1024x1xf32>
      %eq3A = vector.broadcast %broadcast_in_dim3A_31 : vector<1024x1xf32> to vector<1024x1024xf32>
      %eq3A_32 = arith.cmpf oeq, %scan3A_28, %eq3A : vector<1024x1024xf32>
      %jit3A = arith.constant 1024 : i32
      %broadcast_in_dim3A_33 = vector.broadcast %jit3A : i32 to vector<1024x1024xi32>
      %select_n3A = arith.select %eq3A_32, %iota3A, %broadcast_in_dim3A_33 : vector<1024x1024xi1>, vector<1024x1024xi32>
      %reduce_min3A = arith.constant dense<2147483647> : vector<1024xi32>
      %reduce_min3A_34 = vector.multi_reduction <minsi>, %select_n3A, %reduce_min3A [1] : vector<1024x1024xi32> to vector<1024xi32>
      %broadcast_in_dim3A_35 = vector.shape_cast %reduce_min3A_34 : vector<1024xi32> to vector<1024x1xi32>
      %eq3A_36 = vector.broadcast %scan3A_27 : i32 to vector<1024x32xi32>
      %eq3A_37 = arith.cmpi eq, %iota3A_12, %eq3A_36 : vector<1024x32xi32>
      %add3A = vector.broadcast %mul3A_14 : i32 to vector<1024x1xi32>
      %add3A_38 = arith.addi %broadcast_in_dim3A_35, %add3A : vector<1024x1xi32>
      %broadcast_in_dim3A_39 = vector.shape_cast %add3A_38 : vector<1024x1xi32> to vector<1024x1xi32>
      %broadcast_in_dim3A_40 = vector.broadcast %broadcast_in_dim3A_39 : vector<1024x1xi32> to vector<1024x32xi32>
      %select_n3A_41 = arith.select %eq3A_37, %broadcast_in_dim3A_40, %scan3A_29 : vector<1024x32xi1>, vector<1024x32xi32>
      %eq3A_42 = vector.broadcast %broadcast_in_dim3A_35 : vector<1024x1xi32> to vector<1024x1024xi32>
      %eq3A_43 = arith.cmpi eq, %iota3A, %eq3A_42 : vector<1024x1024xi32>
      %jit3A_44 = arith.constant 0xFF800000 : f32
      %broadcast_in_dim3A_45 = vector.broadcast %jit3A_44 : f32 to vector<1024x1024xf32>
      %select_n3A_46 = arith.select %eq3A_43, %broadcast_in_dim3A_45, %scan3A_28 : vector<1024x1024xi1>, vector<1024x1024xf32>
      scf.yield %select_n3A_46, %select_n3A_41 : vector<1024x1024xf32>, vector<1024x32xi32>
    }
    %scan3A_21 = arith.constant 32 : i32
    %swap3A = arith.constant 0 : index
    %swap3A_22 = arith.constant 0 : index
    %swap3A_23 = arith.constant 0 : index
    %swap3A_24 = vector.load %arg2[%swap3A, %swap3A_22, %swap3A_23] : memref<1x1024x32xi32, #tpu.memory_space<vmem>>, vector<1x1024x32xi32>
    %swap3A_25 = vector.shape_cast %swap3A_24 : vector<1x1024x32xi32> to vector<1024x32xi32>
    %swap3A_26 = vector.shape_cast %scan3A_20#1 : vector<1024x32xi32> to vector<1x1024x32xi32>
    tpu.vector_store %arg2[%swap3A, %swap3A_22, %swap3A_23], %swap3A_26 {strides = array<i32>} : memref<1x1024x32xi32, #tpu.memory_space<vmem>>, vector<1x1024x32xi32>,
    return
  }
  func.func @transform_0(%arg0: i32) -> (i32, i32, i32) {
    %c0_i32 = arith.constant 0 : i32
    %c0_i32_0 = arith.constant 0 : i32
    %c0_i32_1 = arith.constant 0 : i32
    return %arg0, %c0_i32, %c0_i32_0 : i32, i32, i32
  }
  func.func @transform_1(%arg0: i32) -> (i32, i32, i32) {
    %c0_i32 = arith.constant 0 : i32
    %c0_i32_0 = arith.constant 0 : i32
    %c0_i32_1 = arith.constant 0 : i32
    return %arg0, %c0_i32, %c0_i32_0 : i32, i32, i32
  }
}

module attributes {stable_mosaic.version = 14 : i64} {
  func.func @_stats_body(%arg0: i32, %arg1: memref<2048x128xf32, #tpu.memory_space<vmem>>, %arg2: memref<64x128xf32, #tpu.memory_space<vmem>>, %arg3: memref<256x64xf32, #tpu.memory_space<vmem>>, %arg4: memref<1x64xf32, #tpu.memory_space<vmem>>, %arg5: memref<8x64xf32, #tpu.memory_space<vmem>>, %arg6: memref<8x64xf32, #tpu.memory_space<vmem>>) attributes {dimension_semantics = [#tpu.dimension_semantics<arbitrary>], iteration_bounds = array<i64: 32>, scalar_prefetch = 0 : i64, scratch_operands = 1 : i64, tpu.core_type = #tpu.core_type<tc>, window_params = [{transform_indices = @transform_0, window_bounds = array<i64: 2048, 128>}, {transform_indices = @transform_1, window_bounds = array<i64: 64, 128>}, {pipeline_mode = #tpu.pipeline_mode<synchronous>, transform_indices = @transform_2, window_bounds = array<i64: 256, 64>}, {pipeline_mode = #tpu.pipeline_mode<synchronous>, transform_indices = @transform_3, window_bounds = array<i64: 1, 64>}, {pipeline_mode = #tpu.pipeline_mode<synchronous>, transform_indices = @transform_4, window_bounds = array<i64: 8, 64>}]} {
    %get3A = arith.constant 0 : index
    %get3A_0 = arith.constant 0 : index
    %get3A_1 = vector.load %arg1[%get3A, %get3A_0] : memref<2048x128xf32, #tpu.memory_space<vmem>>, vector<2048x128xf32>
    %get3A_2 = arith.constant 0 : index
    %get3A_3 = arith.constant 0 : index
    %get3A_4 = vector.load %arg2[%get3A_2, %get3A_3] : memref<64x128xf32, #tpu.memory_space<vmem>>, vector<64x128xf32>
    %broadcast_in_dim3A = vector.shape_cast %get3A_4 : vector<64x128xf32> to vector<64x1x128xf32>
    %broadcast_in_dim3A_5 = vector.shape_cast %broadcast_in_dim3A : vector<64x1x128xf32> to vector<64x1x128xf32>
    %broadcast_in_dim3A_6 = vector.broadcast %broadcast_in_dim3A_5 : vector<64x1x128xf32> to vector<64x32x128xf32>
    %reshape3A = vector.shape_cast %broadcast_in_dim3A_6 : vector<64x32x128xf32> to vector<2048x128xf32>
    %sub3A = arith.subf %get3A_1, %reshape3A : vector<2048x128xf32>
    %concatenate3A = tpu.concatenate %sub3A, %reshape3A in 1 : vector<2048x128xf32>, vector<2048x128xf32> -> vector<2048x256xf32>
    %get3A_7 = arith.constant 0 : index
    %get3A_8 = arith.constant 0 : index
    %get3A_9 = vector.load %arg3[%get3A_7, %get3A_8] : memref<256x64xf32, #tpu.memory_space<vmem>>, vector<256x64xf32>
    %dot_general3A = arith.constant dense<0.000000e+00> : vector<2048x64xf32>
    %dot_general3A_10 = tpu.matmul %concatenate3A, %get3A_9, %dot_general3A {dimension_numbers = #tpu.dot_dimension_numbers<[1], [0], [0], [1], [0, 0, 1, 1], [], []>, transpose_lhs_hint = false} : vector<2048x256xf32>, vector<256x64xf32>, vector<2048x64xf32> -> vector<2048x64xf32>
    %get3A_11 = arith.constant 0 : index
    %get3A_12 = arith.constant 0 : index
    %get3A_13 = vector.load %arg4[%get3A_11, %get3A_12] : memref<1x64xf32, #tpu.memory_space<vmem>>, vector<1x64xf32>
    %add3A = vector.broadcast %get3A_13 : vector<1x64xf32> to vector<2048x64xf32>
    %add3A_14 = arith.addf %dot_general3A_10, %add3A : vector<2048x64xf32>
    %reduce_sum3A = arith.constant dense<0.000000e+00> : vector<64xf32>
    %reduce_sum3A_15 = vector.multi_reduction <add>, %add3A_14, %reduce_sum3A [0] : vector<2048x64xf32> to vector<64xf32>
    %broadcast_in_dim3A_16 = vector.shape_cast %reduce_sum3A_15 : vector<64xf32> to vector<1x64xf32>
    %mul3A = arith.mulf %add3A_14, %add3A_14 : vector<2048x64xf32>
    %reduce_sum3A_17 = arith.constant dense<0.000000e+00> : vector<64xf32>
    %reduce_sum3A_18 = vector.multi_reduction <add>, %mul3A, %reduce_sum3A_17 [0] : vector<2048x64xf32> to vector<64xf32>
    %broadcast_in_dim3A_19 = vector.shape_cast %reduce_sum3A_18 : vector<64xf32> to vector<1x64xf32>
    %eq3A = arith.constant 0 : i32
    %eq3A_20 = arith.cmpi eq, %arg0, %eq3A : i32
    %convert_element_type3A = arith.extui %eq3A_20 : i1 to i32
    %cond3A = arith.constant 0 : i32
    %cond3A_21 = arith.cmpi ne, %convert_element_type3A, %cond3A : i32
    scf.if %cond3A_21 {
      %broadcast_in_dim3A_40 = arith.constant 0.000000e+00 : f32
      %broadcast_in_dim3A_41 = vector.broadcast %broadcast_in_dim3A_40 : f32 to vector<8x64xf32>
      %swap3A_42 = arith.constant 0 : index
      %swap3A_43 = arith.constant 0 : index
      %swap3A_44 = vector.load %arg6[%swap3A_42, %swap3A_43] : memref<8x64xf32, #tpu.memory_space<vmem>>, vector<8x64xf32>
      tpu.vector_store %arg6[%swap3A_42, %swap3A_43], %broadcast_in_dim3A_41 {strides = array<i32>} : memref<8x64xf32, #tpu.memory_space<vmem>>, vector<8x64xf32>,
    } else {
    }
    %get3A_22 = arith.constant 0 : index
    %get3A_23 = arith.constant 0 : index
    %get3A_24 = vector.load %arg6[%get3A_22, %get3A_23] : memref<8x64xf32, #tpu.memory_space<vmem>>, vector<1x64xf32>
    %add3A_25 = arith.addf %get3A_24, %broadcast_in_dim3A_16 : vector<1x64xf32>
    %swap3A = arith.constant 0 : index
    %swap3A_26 = arith.constant 0 : index
    %swap3A_27 = vector.load %arg6[%swap3A, %swap3A_26] : memref<8x64xf32, #tpu.memory_space<vmem>>, vector<1x64xf32>
    tpu.vector_store %arg6[%swap3A, %swap3A_26], %add3A_25 {strides = array<i32>} : memref<8x64xf32, #tpu.memory_space<vmem>>, vector<1x64xf32>,
    %get3A_28 = arith.constant 1 : index
    %get3A_29 = arith.constant 0 : index
    %get3A_30 = vector.load %arg6[%get3A_28, %get3A_29] : memref<8x64xf32, #tpu.memory_space<vmem>>, vector<1x64xf32>
    %add3A_31 = arith.addf %get3A_30, %broadcast_in_dim3A_19 : vector<1x64xf32>
    %swap3A_32 = arith.constant 1 : index
    %swap3A_33 = arith.constant 0 : index
    %swap3A_34 = vector.load %arg6[%swap3A_32, %swap3A_33] : memref<8x64xf32, #tpu.memory_space<vmem>>, vector<1x64xf32>
    tpu.vector_store %arg6[%swap3A_32, %swap3A_33], %add3A_31 {strides = array<i32>} : memref<8x64xf32, #tpu.memory_space<vmem>>, vector<1x64xf32>,
    %eq3A_35 = arith.constant 31 : i32
    %eq3A_36 = arith.cmpi eq, %arg0, %eq3A_35 : i32
    %convert_element_type3A_37 = arith.extui %eq3A_36 : i1 to i32
    %cond3A_38 = arith.constant 0 : i32
    %cond3A_39 = arith.cmpi ne, %convert_element_type3A_37, %cond3A_38 : i32
    scf.if %cond3A_39 {
      %get3A_40 = arith.constant 0 : index
      %get3A_41 = arith.constant 0 : index
      %get3A_42 = vector.load %arg6[%get3A_40, %get3A_41] : memref<8x64xf32, #tpu.memory_space<vmem>>, vector<8x64xf32>
      %swap3A_43 = arith.constant 0 : index
      %swap3A_44 = arith.constant 0 : index
      %swap3A_45 = vector.load %arg5[%swap3A_43, %swap3A_44] : memref<8x64xf32, #tpu.memory_space<vmem>>, vector<8x64xf32>
      tpu.vector_store %arg5[%swap3A_43, %swap3A_44], %get3A_42 {strides = array<i32>} : memref<8x64xf32, #tpu.memory_space<vmem>>, vector<8x64xf32>,
    } else {
    }
    return
  }
  func.func @transform_0(%arg0: i32) -> (i32, i32) {
    %c0_i32 = arith.constant 0 : i32
    %c0_i32_0 = arith.constant 0 : i32
    return %arg0, %c0_i32 : i32, i32
  }
  func.func @transform_1(%arg0: i32) -> (i32, i32) {
    %c0_i32 = arith.constant 0 : i32
    %c0_i32_0 = arith.constant 0 : i32
    return %arg0, %c0_i32 : i32, i32
  }
  func.func @transform_2(%arg0: i32) -> (i32, i32) {
    %c0_i32 = arith.constant 0 : i32
    %c0_i32_0 = arith.constant 0 : i32
    %c0_i32_1 = arith.constant 0 : i32
    return %c0_i32, %c0_i32_0 : i32, i32
  }
  func.func @transform_3(%arg0: i32) -> (i32, i32) {
    %c0_i32 = arith.constant 0 : i32
    %c0_i32_0 = arith.constant 0 : i32
    %c0_i32_1 = arith.constant 0 : i32
    return %c0_i32, %c0_i32_0 : i32, i32
  }
  func.func @transform_4(%arg0: i32) -> (i32, i32) {
    %c0_i32 = arith.constant 0 : i32
    %c0_i32_0 = arith.constant 0 : i32
    %c0_i32_1 = arith.constant 0 : i32
    return %c0_i32, %c0_i32_0 : i32, i32
  }
}

module attributes {stable_mosaic.version = 14 : i64} {
  func.func @_main_body(%arg0: i32, %arg1: memref<2048x128xf32, #tpu.memory_space<vmem>>, %arg2: memref<64x128xf32, #tpu.memory_space<vmem>>, %arg3: memref<256x64xf32, #tpu.memory_space<vmem>>, %arg4: memref<1x64xf32, #tpu.memory_space<vmem>>, %arg5: memref<8x64xf32, #tpu.memory_space<vmem>>, %arg6: memref<1x64xf32, #tpu.memory_space<vmem>>, %arg7: memref<1x64xf32, #tpu.memory_space<vmem>>, %arg8: memref<64x64xf32, #tpu.memory_space<vmem>>, %arg9: memref<1x64xf32, #tpu.memory_space<vmem>>, %arg10: memref<64x64xf32, #tpu.memory_space<vmem>>, %arg11: memref<64x64xf32, #tpu.memory_space<vmem>>, %arg12: memref<8x64xf32, #tpu.memory_space<vmem>>, %arg13: memref<8x64xf32, #tpu.memory_space<vmem>>) attributes {dimension_semantics = [#tpu.dimension_semantics<arbitrary>], iteration_bounds = array<i64: 32>, scalar_prefetch = 0 : i64, scratch_operands = 1 : i64, tpu.core_type = #tpu.core_type<tc>, window_params = [{transform_indices = @transform_0, window_bounds = array<i64: 2048, 128>}, {transform_indices = @transform_1, window_bounds = array<i64: 64, 128>}, {pipeline_mode = #tpu.pipeline_mode<synchronous>, transform_indices = @transform_2, window_bounds = array<i64: 256, 64>}, {pipeline_mode = #tpu.pipeline_mode<synchronous>, transform_indices = @transform_3, window_bounds = array<i64: 1, 64>}, {pipeline_mode = #tpu.pipeline_mode<synchronous>, transform_indices = @transform_4, window_bounds = array<i64: 8, 64>}, {pipeline_mode = #tpu.pipeline_mode<synchronous>, transform_indices = @transform_5, window_bounds = array<i64: 1, 64>}, {pipeline_mode = #tpu.pipeline_mode<synchronous>, transform_indices = @transform_6, window_bounds = array<i64: 1, 64>}, {pipeline_mode = #tpu.pipeline_mode<synchronous>, transform_indices = @transform_7, window_bounds = array<i64: 64, 64>}, {pipeline_mode = #tpu.pipeline_mode<synchronous>, transform_indices = @transform_8, window_bounds = array<i64: 1, 64>}, {transform_indices = @transform_9, window_bounds = array<i64: 64, 64>}, {transform_indices = @transform_10, window_bounds = array<i64: 64, 64>}, {pipeline_mode = #tpu.pipeline_mode<synchronous>, transform_indices = @transform_11, window_bounds = array<i64: 8, 64>}]} {
    %get3A = arith.constant 0 : index
    %get3A_0 = arith.constant 0 : index
    %get3A_1 = vector.load %arg1[%get3A, %get3A_0] : memref<2048x128xf32, #tpu.memory_space<vmem>>, vector<2048x128xf32>
    %get3A_2 = arith.constant 0 : index
    %get3A_3 = arith.constant 0 : index
    %get3A_4 = vector.load %arg2[%get3A_2, %get3A_3] : memref<64x128xf32, #tpu.memory_space<vmem>>, vector<64x128xf32>
    %broadcast_in_dim3A = vector.shape_cast %get3A_4 : vector<64x128xf32> to vector<64x1x128xf32>
    %broadcast_in_dim3A_5 = vector.shape_cast %broadcast_in_dim3A : vector<64x1x128xf32> to vector<64x1x128xf32>
    %broadcast_in_dim3A_6 = vector.broadcast %broadcast_in_dim3A_5 : vector<64x1x128xf32> to vector<64x32x128xf32>
    %reshape3A = vector.shape_cast %broadcast_in_dim3A_6 : vector<64x32x128xf32> to vector<2048x128xf32>
    %sub3A = arith.subf %get3A_1, %reshape3A : vector<2048x128xf32>
    %concatenate3A = tpu.concatenate %sub3A, %reshape3A in 1 : vector<2048x128xf32>, vector<2048x128xf32> -> vector<2048x256xf32>
    %get3A_7 = arith.constant 0 : index
    %get3A_8 = arith.constant 0 : index
    %get3A_9 = vector.load %arg3[%get3A_7, %get3A_8] : memref<256x64xf32, #tpu.memory_space<vmem>>, vector<256x64xf32>
    %dot_general3A = arith.constant dense<0.000000e+00> : vector<2048x64xf32>
    %dot_general3A_10 = tpu.matmul %concatenate3A, %get3A_9, %dot_general3A {dimension_numbers = #tpu.dot_dimension_numbers<[1], [0], [0], [1], [0, 0, 1, 1], [], []>, transpose_lhs_hint = false} : vector<2048x256xf32>, vector<256x64xf32>, vector<2048x64xf32> -> vector<2048x64xf32>
    %get3A_11 = arith.constant 0 : index
    %get3A_12 = arith.constant 0 : index
    %get3A_13 = vector.load %arg4[%get3A_11, %get3A_12] : memref<1x64xf32, #tpu.memory_space<vmem>>, vector<1x64xf32>
    %add3A = vector.broadcast %get3A_13 : vector<1x64xf32> to vector<2048x64xf32>
    %add3A_14 = arith.addf %dot_general3A_10, %add3A : vector<2048x64xf32>
    %get3A_15 = arith.constant 0 : index
    %get3A_16 = arith.constant 0 : index
    %get3A_17 = vector.load %arg5[%get3A_15, %get3A_16] : memref<8x64xf32, #tpu.memory_space<vmem>>, vector<1x64xf32>
    %mul3A = arith.constant 1.52587891E-5 : f32
    %mul3A_18 = vector.broadcast %mul3A : f32 to vector<1x64xf32>
    %mul3A_19 = arith.mulf %get3A_17, %mul3A_18 : vector<1x64xf32>
    %get3A_20 = arith.constant 1 : index
    %get3A_21 = arith.constant 0 : index
    %get3A_22 = vector.load %arg5[%get3A_20, %get3A_21] : memref<8x64xf32, #tpu.memory_space<vmem>>, vector<1x64xf32>
    %mul3A_23 = arith.constant 1.52587891E-5 : f32
    %mul3A_24 = vector.broadcast %mul3A_23 : f32 to vector<1x64xf32>
    %mul3A_25 = arith.mulf %get3A_22, %mul3A_24 : vector<1x64xf32>
    %mul3A_26 = arith.mulf %mul3A_19, %mul3A_19 : vector<1x64xf32>
    %sub3A_27 = arith.subf %mul3A_25, %mul3A_26 : vector<1x64xf32>
    %add3A_28 = arith.constant 9.99999974E-6 : f32
    %add3A_29 = vector.broadcast %add3A_28 : f32 to vector<1x64xf32>
    %add3A_30 = arith.addf %sub3A_27, %add3A_29 : vector<1x64xf32>
    %sqrt3A = math.sqrt %add3A_30 : vector<1x64xf32>
    %sub3A_31 = vector.broadcast %mul3A_19 : vector<1x64xf32> to vector<2048x64xf32>
    %sub3A_32 = arith.subf %add3A_14, %sub3A_31 : vector<2048x64xf32>
    %div3A = vector.broadcast %sqrt3A : vector<1x64xf32> to vector<2048x64xf32>
    %div3A_33 = arith.divf %sub3A_32, %div3A : vector<2048x64xf32>
    %get3A_34 = arith.constant 0 : index
    %get3A_35 = arith.constant 0 : index
    %get3A_36 = vector.load %arg6[%get3A_34, %get3A_35] : memref<1x64xf32, #tpu.memory_space<vmem>>, vector<1x64xf32>
    %mul3A_37 = vector.broadcast %get3A_36 : vector<1x64xf32> to vector<2048x64xf32>
    %mul3A_38 = arith.mulf %div3A_33, %mul3A_37 : vector<2048x64xf32>
    %get3A_39 = arith.constant 0 : index
    %get3A_40 = arith.constant 0 : index
    %get3A_41 = vector.load %arg7[%get3A_39, %get3A_40] : memref<1x64xf32, #tpu.memory_space<vmem>>, vector<1x64xf32>
    %add3A_42 = vector.broadcast %get3A_41 : vector<1x64xf32> to vector<2048x64xf32>
    %add3A_43 = arith.addf %mul3A_38, %add3A_42 : vector<2048x64xf32>
    %ge3A = arith.constant 0.000000e+00 : f32
    %ge3A_44 = vector.broadcast %ge3A : f32 to vector<2048x64xf32>
    %ge3A_45 = arith.cmpf oge, %add3A_43, %ge3A_44 : vector<2048x64xf32>
    %mul3A_46 = arith.constant 2.000000e-01 : f32
    %mul3A_47 = vector.broadcast %mul3A_46 : f32 to vector<2048x64xf32>
    %mul3A_48 = arith.mulf %mul3A_47, %add3A_43 : vector<2048x64xf32>
    %select_n3A = arith.select %ge3A_45, %add3A_43, %mul3A_48 : vector<2048x64xi1>, vector<2048x64xf32>
    %get3A_49 = arith.constant 0 : index
    %get3A_50 = arith.constant 0 : index
    %get3A_51 = vector.load %arg8[%get3A_49, %get3A_50] : memref<64x64xf32, #tpu.memory_space<vmem>>, vector<64x64xf32>
    %dot_general3A_52 = arith.constant dense<0.000000e+00> : vector<2048x64xf32>
    %dot_general3A_53 = tpu.matmul %select_n3A, %get3A_51, %dot_general3A_52 {dimension_numbers = #tpu.dot_dimension_numbers<[1], [0], [0], [1], [0, 0, 1, 1], [], []>, transpose_lhs_hint = false} : vector<2048x64xf32>, vector<64x64xf32>, vector<2048x64xf32> -> vector<2048x64xf32>
    %get3A_54 = arith.constant 0 : index
    %get3A_55 = arith.constant 0 : index
    %get3A_56 = vector.load %arg9[%get3A_54, %get3A_55] : memref<1x64xf32, #tpu.memory_space<vmem>>, vector<1x64xf32>
    %add3A_57 = vector.broadcast %get3A_56 : vector<1x64xf32> to vector<2048x64xf32>
    %add3A_58 = arith.addf %dot_general3A_53, %add3A_57 : vector<2048x64xf32>
    %reduce_sum3A = arith.constant dense<0.000000e+00> : vector<64xf32>
    %reduce_sum3A_59 = vector.multi_reduction <add>, %add3A_58, %reduce_sum3A [0] : vector<2048x64xf32> to vector<64xf32>
    %broadcast_in_dim3A_60 = vector.shape_cast %reduce_sum3A_59 : vector<64xf32> to vector<1x64xf32>
    %mul3A_61 = arith.mulf %add3A_58, %add3A_58 : vector<2048x64xf32>
    %reduce_sum3A_62 = arith.constant dense<0.000000e+00> : vector<64xf32>
    %reduce_sum3A_63 = vector.multi_reduction <add>, %mul3A_61, %reduce_sum3A_62 [0] : vector<2048x64xf32> to vector<64xf32>
    %broadcast_in_dim3A_64 = vector.shape_cast %reduce_sum3A_63 : vector<64xf32> to vector<1x64xf32>
    %eq3A = arith.constant 0 : i32
    %eq3A_65 = arith.cmpi eq, %arg0, %eq3A : i32
    %convert_element_type3A = arith.extui %eq3A_65 : i1 to i32
    %cond3A = arith.constant 0 : i32
    %cond3A_66 = arith.cmpi ne, %convert_element_type3A, %cond3A : i32
    scf.if %cond3A_66 {
      %broadcast_in_dim3A_94 = arith.constant 0.000000e+00 : f32
      %broadcast_in_dim3A_95 = vector.broadcast %broadcast_in_dim3A_94 : f32 to vector<8x64xf32>
      %swap3A_96 = arith.constant 0 : index
      %swap3A_97 = arith.constant 0 : index
      %swap3A_98 = vector.load %arg13[%swap3A_96, %swap3A_97] : memref<8x64xf32, #tpu.memory_space<vmem>>, vector<8x64xf32>
      tpu.vector_store %arg13[%swap3A_96, %swap3A_97], %broadcast_in_dim3A_95 {strides = array<i32>} : memref<8x64xf32, #tpu.memory_space<vmem>>, vector<8x64xf32>,
    } else {
    }
    %get3A_67 = arith.constant 0 : index
    %get3A_68 = arith.constant 0 : index
    %get3A_69 = vector.load %arg13[%get3A_67, %get3A_68] : memref<8x64xf32, #tpu.memory_space<vmem>>, vector<1x64xf32>
    %add3A_70 = arith.addf %get3A_69, %broadcast_in_dim3A_60 : vector<1x64xf32>
    %swap3A = arith.constant 0 : index
    %swap3A_71 = arith.constant 0 : index
    %swap3A_72 = vector.load %arg13[%swap3A, %swap3A_71] : memref<8x64xf32, #tpu.memory_space<vmem>>, vector<1x64xf32>
    tpu.vector_store %arg13[%swap3A, %swap3A_71], %add3A_70 {strides = array<i32>} : memref<8x64xf32, #tpu.memory_space<vmem>>, vector<1x64xf32>,
    %get3A_73 = arith.constant 1 : index
    %get3A_74 = arith.constant 0 : index
    %get3A_75 = vector.load %arg13[%get3A_73, %get3A_74] : memref<8x64xf32, #tpu.memory_space<vmem>>, vector<1x64xf32>
    %add3A_76 = arith.addf %get3A_75, %broadcast_in_dim3A_64 : vector<1x64xf32>
    %swap3A_77 = arith.constant 1 : index
    %swap3A_78 = arith.constant 0 : index
    %swap3A_79 = vector.load %arg13[%swap3A_77, %swap3A_78] : memref<8x64xf32, #tpu.memory_space<vmem>>, vector<1x64xf32>
    tpu.vector_store %arg13[%swap3A_77, %swap3A_78], %add3A_76 {strides = array<i32>} : memref<8x64xf32, #tpu.memory_space<vmem>>, vector<1x64xf32>,
    %reshape3A_80 = vector.shape_cast %add3A_58 : vector<2048x64xf32> to vector<64x32x64xf32>
    %reduce_max3A = arith.constant dense<0xFF800000> : vector<64x64xf32>
    %reduce_max3A_81 = vector.multi_reduction <maximumf>, %reshape3A_80, %reduce_max3A [1] : vector<64x32x64xf32> to vector<64x64xf32>
    %swap3A_82 = arith.constant 0 : index
    %swap3A_83 = arith.constant 0 : index
    %swap3A_84 = vector.load %arg10[%swap3A_82, %swap3A_83] : memref<64x64xf32, #tpu.memory_space<vmem>>, vector<64x64xf32>
    tpu.vector_store %arg10[%swap3A_82, %swap3A_83], %reduce_max3A_81 {strides = array<i32>} : memref<64x64xf32, #tpu.memory_space<vmem>>, vector<64x64xf32>,
    %reduce_min3A = arith.constant dense<0x7F800000> : vector<64x64xf32>
    %reduce_min3A_85 = vector.multi_reduction <minimumf>, %reshape3A_80, %reduce_min3A [1] : vector<64x32x64xf32> to vector<64x64xf32>
    %swap3A_86 = arith.constant 0 : index
    %swap3A_87 = arith.constant 0 : index
    %swap3A_88 = vector.load %arg11[%swap3A_86, %swap3A_87] : memref<64x64xf32, #tpu.memory_space<vmem>>, vector<64x64xf32>
    tpu.vector_store %arg11[%swap3A_86, %swap3A_87], %reduce_min3A_85 {strides = array<i32>} : memref<64x64xf32, #tpu.memory_space<vmem>>, vector<64x64xf32>,
    %eq3A_89 = arith.constant 31 : i32
    %eq3A_90 = arith.cmpi eq, %arg0, %eq3A_89 : i32
    %convert_element_type3A_91 = arith.extui %eq3A_90 : i1 to i32
    %cond3A_92 = arith.constant 0 : i32
    %cond3A_93 = arith.cmpi ne, %convert_element_type3A_91, %cond3A_92 : i32
    scf.if %cond3A_93 {
      %get3A_94 = arith.constant 0 : index
      %get3A_95 = arith.constant 0 : index
      %get3A_96 = vector.load %arg13[%get3A_94, %get3A_95] : memref<8x64xf32, #tpu.memory_space<vmem>>, vector<8x64xf32>
      %swap3A_97 = arith.constant 0 : index
      %swap3A_98 = arith.constant 0 : index
      %swap3A_99 = vector.load %arg12[%swap3A_97, %swap3A_98] : memref<8x64xf32, #tpu.memory_space<vmem>>, vector<8x64xf32>
      tpu.vector_store %arg12[%swap3A_97, %swap3A_98], %get3A_96 {strides = array<i32>} : memref<8x64xf32, #tpu.memory_space<vmem>>, vector<8x64xf32>,
    } else {
    }
    return
  }
  func.func @transform_0(%arg0: i32) -> (i32, i32) {
    %c0_i32 = arith.constant 0 : i32
    %c0_i32_0 = arith.constant 0 : i32
    return %arg0, %c0_i32 : i32, i32
  }
  func.func @transform_1(%arg0: i32) -> (i32, i32) {
    %c0_i32 = arith.constant 0 : i32
    %c0_i32_0 = arith.constant 0 : i32
    return %arg0, %c0_i32 : i32, i32
  }
  func.func @transform_2(%arg0: i32) -> (i32, i32) {
    %c0_i32 = arith.constant 0 : i32
    %c0_i32_0 = arith.constant 0 : i32
    %c0_i32_1 = arith.constant 0 : i32
    return %c0_i32, %c0_i32_0 : i32, i32
  }
  func.func @transform_3(%arg0: i32) -> (i32, i32) {
    %c0_i32 = arith.constant 0 : i32
    %c0_i32_0 = arith.constant 0 : i32
    %c0_i32_1 = arith.constant 0 : i32
    return %c0_i32, %c0_i32_0 : i32, i32
  }
  func.func @transform_4(%arg0: i32) -> (i32, i32) {
    %c0_i32 = arith.constant 0 : i32
    %c0_i32_0 = arith.constant 0 : i32
    %c0_i32_1 = arith.constant 0 : i32
    return %c0_i32, %c0_i32_0 : i32, i32
  }
  func.func @transform_5(%arg0: i32) -> (i32, i32) {
    %c0_i32 = arith.constant 0 : i32
    %c0_i32_0 = arith.constant 0 : i32
    %c0_i32_1 = arith.constant 0 : i32
    return %c0_i32, %c0_i32_0 : i32, i32
  }
  func.func @transform_6(%arg0: i32) -> (i32, i32) {
    %c0_i32 = arith.constant 0 : i32
    %c0_i32_0 = arith.constant 0 : i32
    %c0_i32_1 = arith.constant 0 : i32
    return %c0_i32, %c0_i32_0 : i32, i32
  }
  func.func @transform_7(%arg0: i32) -> (i32, i32) {
    %c0_i32 = arith.constant 0 : i32
    %c0_i32_0 = arith.constant 0 : i32
    %c0_i32_1 = arith.constant 0 : i32
    return %c0_i32, %c0_i32_0 : i32, i32
  }
  func.func @transform_8(%arg0: i32) -> (i32, i32) {
    %c0_i32 = arith.constant 0 : i32
    %c0_i32_0 = arith.constant 0 : i32
    %c0_i32_1 = arith.constant 0 : i32
    return %c0_i32, %c0_i32_0 : i32, i32
  }
  func.func @transform_9(%arg0: i32) -> (i32, i32) {
    %c0_i32 = arith.constant 0 : i32
    %c0_i32_0 = arith.constant 0 : i32
    return %arg0, %c0_i32 : i32, i32
  }
  func.func @transform_10(%arg0: i32) -> (i32, i32) {
    %c0_i32 = arith.constant 0 : i32
    %c0_i32_0 = arith.constant 0 : i32
    return %arg0, %c0_i32 : i32, i32
  }
  func.func @transform_11(%arg0: i32) -> (i32, i32) {
    %c0_i32 = arith.constant 0 : i32
    %c0_i32_0 = arith.constant 0 : i32
    %c0_i32_1 = arith.constant 0 : i32
    return %c0_i32, %c0_i32_0 : i32, i32
  }
}

module attributes {stable_mosaic.version = 14 : i64} {
  func.func @_fin_body(%arg0: memref<2048x64xf32, #tpu.memory_space<vmem>>, %arg1: memref<2048x64xf32, #tpu.memory_space<vmem>>, %arg2: memref<8x64xf32, #tpu.memory_space<vmem>>, %arg3: memref<1x64xf32, #tpu.memory_space<vmem>>, %arg4: memref<1x64xf32, #tpu.memory_space<vmem>>, %arg5: memref<2048x128xf32, #tpu.memory_space<vmem>>) attributes {dimension_semantics = [], scalar_prefetch = 0 : i64, scratch_operands = 0 : i64, tpu.core_type = #tpu.core_type<tc>} {
    %get3A = arith.constant 0 : index
    %get3A_0 = arith.constant 0 : index
    %get3A_1 = vector.load %arg3[%get3A, %get3A_0] : memref<1x64xf32, #tpu.memory_space<vmem>>, vector<1x64xf32>
    %ge3A = arith.constant 0.000000e+00 : f32
    %ge3A_2 = vector.broadcast %ge3A : f32 to vector<1x64xf32>
    %ge3A_3 = arith.cmpf oge, %get3A_1, %ge3A_2 : vector<1x64xf32>
    %get3A_4 = arith.constant 0 : index
    %get3A_5 = arith.constant 0 : index
    %get3A_6 = vector.load %arg0[%get3A_4, %get3A_5] : memref<2048x64xf32, #tpu.memory_space<vmem>>, vector<2048x64xf32>
    %get3A_7 = arith.constant 0 : index
    %get3A_8 = arith.constant 0 : index
    %get3A_9 = vector.load %arg1[%get3A_7, %get3A_8] : memref<2048x64xf32, #tpu.memory_space<vmem>>, vector<2048x64xf32>
    %broadcast_in_dim3A = vector.shape_cast %ge3A_3 : vector<1x64xi1> to vector<1x64xi1>
    %broadcast_in_dim3A_10 = vector.broadcast %broadcast_in_dim3A : vector<1x64xi1> to vector<2048x64xi1>
    %select_n3A = arith.select %broadcast_in_dim3A_10, %get3A_6, %get3A_9 : vector<2048x64xi1>, vector<2048x64xf32>
    %get3A_11 = arith.constant 0 : index
    %get3A_12 = arith.constant 0 : index
    %get3A_13 = vector.load %arg2[%get3A_11, %get3A_12] : memref<8x64xf32, #tpu.memory_space<vmem>>, vector<1x64xf32>
    %mul3A = arith.constant 1.52587891E-5 : f32
    %mul3A_14 = vector.broadcast %mul3A : f32 to vector<1x64xf32>
    %mul3A_15 = arith.mulf %get3A_13, %mul3A_14 : vector<1x64xf32>
    %get3A_16 = arith.constant 1 : index
    %get3A_17 = arith.constant 0 : index
    %get3A_18 = vector.load %arg2[%get3A_16, %get3A_17] : memref<8x64xf32, #tpu.memory_space<vmem>>, vector<1x64xf32>
    %mul3A_19 = arith.constant 1.52587891E-5 : f32
    %mul3A_20 = vector.broadcast %mul3A_19 : f32 to vector<1x64xf32>
    %mul3A_21 = arith.mulf %get3A_18, %mul3A_20 : vector<1x64xf32>
    %mul3A_22 = arith.mulf %mul3A_15, %mul3A_15 : vector<1x64xf32>
    %sub3A = arith.subf %mul3A_21, %mul3A_22 : vector<1x64xf32>
    %add3A = arith.constant 9.99999974E-6 : f32
    %add3A_23 = vector.broadcast %add3A : f32 to vector<1x64xf32>
    %add3A_24 = arith.addf %sub3A, %add3A_23 : vector<1x64xf32>
    %sqrt3A = math.sqrt %add3A_24 : vector<1x64xf32>
    %sub3A_25 = vector.broadcast %mul3A_15 : vector<1x64xf32> to vector<2048x64xf32>
    %sub3A_26 = arith.subf %select_n3A, %sub3A_25 : vector<2048x64xf32>
    %div3A = vector.broadcast %sqrt3A : vector<1x64xf32> to vector<2048x64xf32>
    %div3A_27 = arith.divf %sub3A_26, %div3A : vector<2048x64xf32>
    %get3A_28 = arith.constant 0 : index
    %get3A_29 = arith.constant 0 : index
    %get3A_30 = vector.load %arg3[%get3A_28, %get3A_29] : memref<1x64xf32, #tpu.memory_space<vmem>>, vector<1x64xf32>
    %mul3A_31 = vector.broadcast %get3A_30 : vector<1x64xf32> to vector<2048x64xf32>
    %mul3A_32 = arith.mulf %div3A_27, %mul3A_31 : vector<2048x64xf32>
    %get3A_33 = arith.constant 0 : index
    %get3A_34 = arith.constant 0 : index
    %get3A_35 = vector.load %arg4[%get3A_33, %get3A_34] : memref<1x64xf32, #tpu.memory_space<vmem>>, vector<1x64xf32>
    %add3A_36 = vector.broadcast %get3A_35 : vector<1x64xf32> to vector<2048x64xf32>
    %add3A_37 = arith.addf %mul3A_32, %add3A_36 : vector<2048x64xf32>
    %ge3A_38 = arith.constant 0.000000e+00 : f32
    %ge3A_39 = vector.broadcast %ge3A_38 : f32 to vector<2048x64xf32>
    %ge3A_40 = arith.cmpf oge, %add3A_37, %ge3A_39 : vector<2048x64xf32>
    %mul3A_41 = arith.constant 2.000000e-01 : f32
    %mul3A_42 = vector.broadcast %mul3A_41 : f32 to vector<2048x64xf32>
    %mul3A_43 = arith.mulf %mul3A_42, %add3A_37 : vector<2048x64xf32>
    %select_n3A_44 = arith.select %ge3A_40, %add3A_37, %mul3A_43 : vector<2048x64xi1>, vector<2048x64xf32>
    %broadcast_in_dim3A_45 = arith.constant 0.000000e+00 : f32
    %broadcast_in_dim3A_46 = vector.broadcast %broadcast_in_dim3A_45 : f32 to vector<2048x64xf32>
    %concatenate3A = tpu.concatenate %select_n3A_44, %broadcast_in_dim3A_46 in 1 : vector<2048x64xf32>, vector<2048x64xf32> -> vector<2048x128xf32>
    %swap3A = arith.constant 0 : index
    %swap3A_47 = arith.constant 0 : index
    %swap3A_48 = vector.load %arg5[%swap3A, %swap3A_47] : memref<2048x128xf32, #tpu.memory_space<vmem>>, vector<2048x128xf32>
    tpu.vector_store %arg5[%swap3A, %swap3A_47], %concatenate3A {strides = array<i32>} : memref<2048x128xf32, #tpu.memory_space<vmem>>, vector<2048x128xf32>,
    return
  }
}

module attributes {stable_mosaic.version = 14 : i64} {
  func.func @_main_body(%arg0: i32, %arg1: memref<2048x128xf32, #tpu.memory_space<vmem>>, %arg2: memref<64x128xf32, #tpu.memory_space<vmem>>, %arg3: memref<128x64xf32, #tpu.memory_space<vmem>>, %arg4: memref<1x64xf32, #tpu.memory_space<vmem>>, %arg5: memref<8x64xf32, #tpu.memory_space<vmem>>, %arg6: memref<1x64xf32, #tpu.memory_space<vmem>>, %arg7: memref<1x64xf32, #tpu.memory_space<vmem>>, %arg8: memref<64x128xf32, #tpu.memory_space<vmem>>, %arg9: memref<1x128xf32, #tpu.memory_space<vmem>>, %arg10: memref<64x128xf32, #tpu.memory_space<vmem>>, %arg11: memref<64x128xf32, #tpu.memory_space<vmem>>, %arg12: memref<8x128xf32, #tpu.memory_space<vmem>>, %arg13: memref<8x128xf32, #tpu.memory_space<vmem>>) attributes {dimension_semantics = [#tpu.dimension_semantics<arbitrary>], iteration_bounds = array<i64: 32>, scalar_prefetch = 0 : i64, scratch_operands = 1 : i64, tpu.core_type = #tpu.core_type<tc>, window_params = [{transform_indices = @transform_0, window_bounds = array<i64: 2048, 128>}, {transform_indices = @transform_1, window_bounds = array<i64: 64, 128>}, {pipeline_mode = #tpu.pipeline_mode<synchronous>, transform_indices = @transform_2, window_bounds = array<i64: 128, 64>}, {pipeline_mode = #tpu.pipeline_mode<synchronous>, transform_indices = @transform_3, window_bounds = array<i64: 1, 64>}, {pipeline_mode = #tpu.pipeline_mode<synchronous>, transform_indices = @transform_4, window_bounds = array<i64: 8, 64>}, {pipeline_mode = #tpu.pipeline_mode<synchronous>, transform_indices = @transform_5, window_bounds = array<i64: 1, 64>}, {pipeline_mode = #tpu.pipeline_mode<synchronous>, transform_indices = @transform_6, window_bounds = array<i64: 1, 64>}, {pipeline_mode = #tpu.pipeline_mode<synchronous>, transform_indices = @transform_7, window_bounds = array<i64: 64, 128>}, {pipeline_mode = #tpu.pipeline_mode<synchronous>, transform_indices = @transform_8, window_bounds = array<i64: 1, 128>}, {transform_indices = @transform_9, window_bounds = array<i64: 64, 128>}, {transform_indices = @transform_10, window_bounds = array<i64: 64, 128>}, {pipeline_mode = #tpu.pipeline_mode<synchronous>, transform_indices = @transform_11, window_bounds = array<i64: 8, 128>}]} {
    %get3A = arith.constant 0 : index
    %get3A_0 = arith.constant 0 : index
    %get3A_1 = vector.load %arg1[%get3A, %get3A_0] : memref<2048x128xf32, #tpu.memory_space<vmem>>, vector<2048x128xf32>
    %get3A_2 = arith.constant 0 : index
    %get3A_3 = arith.constant 0 : index
    %get3A_4 = vector.load %arg2[%get3A_2, %get3A_3] : memref<64x128xf32, #tpu.memory_space<vmem>>, vector<64x128xf32>
    %broadcast_in_dim3A = vector.shape_cast %get3A_4 : vector<64x128xf32> to vector<64x1x128xf32>
    %broadcast_in_dim3A_5 = vector.shape_cast %broadcast_in_dim3A : vector<64x1x128xf32> to vector<64x1x128xf32>
    %broadcast_in_dim3A_6 = vector.broadcast %broadcast_in_dim3A_5 : vector<64x1x128xf32> to vector<64x32x128xf32>
    %reshape3A = vector.shape_cast %broadcast_in_dim3A_6 : vector<64x32x128xf32> to vector<2048x128xf32>
    %slice3A = vector.extract_strided_slice %get3A_1 {offsets = [0, 0], sizes = [2048, 64], strides = [1, 1]} : vector<2048x128xf32> to vector<2048x64xf32>
    %slice3A_7 = vector.extract_strided_slice %reshape3A {offsets = [0, 0], sizes = [2048, 64], strides = [1, 1]} : vector<2048x128xf32> to vector<2048x64xf32>
    %sub3A = arith.subf %slice3A, %slice3A_7 : vector<2048x64xf32>
    %concatenate3A = tpu.concatenate %sub3A, %slice3A_7 in 1 : vector<2048x64xf32>, vector<2048x64xf32> -> vector<2048x128xf32>
    %get3A_8 = arith.constant 0 : index
    %get3A_9 = arith.constant 0 : index
    %get3A_10 = vector.load %arg3[%get3A_8, %get3A_9] : memref<128x64xf32, #tpu.memory_space<vmem>>, vector<128x64xf32>
    %dot_general3A = arith.constant dense<0.000000e+00> : vector<2048x64xf32>
    %dot_general3A_11 = tpu.matmul %concatenate3A, %get3A_10, %dot_general3A {dimension_numbers = #tpu.dot_dimension_numbers<[1], [0], [0], [1], [0, 0, 1, 1], [], []>, transpose_lhs_hint = false} : vector<2048x128xf32>, vector<128x64xf32>, vector<2048x64xf32> -> vector<2048x64xf32>
    %get3A_12 = arith.constant 0 : index
    %get3A_13 = arith.constant 0 : index
    %get3A_14 = vector.load %arg4[%get3A_12, %get3A_13] : memref<1x64xf32, #tpu.memory_space<vmem>>, vector<1x64xf32>
    %add3A = vector.broadcast %get3A_14 : vector<1x64xf32> to vector<2048x64xf32>
    %add3A_15 = arith.addf %dot_general3A_11, %add3A : vector<2048x64xf32>
    %get3A_16 = arith.constant 0 : index
    %get3A_17 = arith.constant 0 : index
    %get3A_18 = vector.load %arg5[%get3A_16, %get3A_17] : memref<8x64xf32, #tpu.memory_space<vmem>>, vector<1x64xf32>
    %mul3A = arith.constant 1.52587891E-5 : f32
    %mul3A_19 = vector.broadcast %mul3A : f32 to vector<1x64xf32>
    %mul3A_20 = arith.mulf %get3A_18, %mul3A_19 : vector<1x64xf32>
    %get3A_21 = arith.constant 1 : index
    %get3A_22 = arith.constant 0 : index
    %get3A_23 = vector.load %arg5[%get3A_21, %get3A_22] : memref<8x64xf32, #tpu.memory_space<vmem>>, vector<1x64xf32>
    %mul3A_24 = arith.constant 1.52587891E-5 : f32
    %mul3A_25 = vector.broadcast %mul3A_24 : f32 to vector<1x64xf32>
    %mul3A_26 = arith.mulf %get3A_23, %mul3A_25 : vector<1x64xf32>
    %mul3A_27 = arith.mulf %mul3A_20, %mul3A_20 : vector<1x64xf32>
    %sub3A_28 = arith.subf %mul3A_26, %mul3A_27 : vector<1x64xf32>
    %add3A_29 = arith.constant 9.99999974E-6 : f32
    %add3A_30 = vector.broadcast %add3A_29 : f32 to vector<1x64xf32>
    %add3A_31 = arith.addf %sub3A_28, %add3A_30 : vector<1x64xf32>
    %sqrt3A = math.sqrt %add3A_31 : vector<1x64xf32>
    %sub3A_32 = vector.broadcast %mul3A_20 : vector<1x64xf32> to vector<2048x64xf32>
    %sub3A_33 = arith.subf %add3A_15, %sub3A_32 : vector<2048x64xf32>
    %div3A = vector.broadcast %sqrt3A : vector<1x64xf32> to vector<2048x64xf32>
    %div3A_34 = arith.divf %sub3A_33, %div3A : vector<2048x64xf32>
    %get3A_35 = arith.constant 0 : index
    %get3A_36 = arith.constant 0 : index
    %get3A_37 = vector.load %arg6[%get3A_35, %get3A_36] : memref<1x64xf32, #tpu.memory_space<vmem>>, vector<1x64xf32>
    %mul3A_38 = vector.broadcast %get3A_37 : vector<1x64xf32> to vector<2048x64xf32>
    %mul3A_39 = arith.mulf %div3A_34, %mul3A_38 : vector<2048x64xf32>
    %get3A_40 = arith.constant 0 : index
    %get3A_41 = arith.constant 0 : index
    %get3A_42 = vector.load %arg7[%get3A_40, %get3A_41] : memref<1x64xf32, #tpu.memory_space<vmem>>, vector<1x64xf32>
    %add3A_43 = vector.broadcast %get3A_42 : vector<1x64xf32> to vector<2048x64xf32>
    %add3A_44 = arith.addf %mul3A_39, %add3A_43 : vector<2048x64xf32>
    %ge3A = arith.constant 0.000000e+00 : f32
    %ge3A_45 = vector.broadcast %ge3A : f32 to vector<2048x64xf32>
    %ge3A_46 = arith.cmpf oge, %add3A_44, %ge3A_45 : vector<2048x64xf32>
    %mul3A_47 = arith.constant 2.000000e-01 : f32
    %mul3A_48 = vector.broadcast %mul3A_47 : f32 to vector<2048x64xf32>
    %mul3A_49 = arith.mulf %mul3A_48, %add3A_44 : vector<2048x64xf32>
    %select_n3A = arith.select %ge3A_46, %add3A_44, %mul3A_49 : vector<2048x64xi1>, vector<2048x64xf32>
    %get3A_50 = arith.constant 0 : index
    %get3A_51 = arith.constant 0 : index
    %get3A_52 = vector.load %arg8[%get3A_50, %get3A_51] : memref<64x128xf32, #tpu.memory_space<vmem>>, vector<64x128xf32>
    %dot_general3A_53 = arith.constant dense<0.000000e+00> : vector<2048x128xf32>
    %dot_general3A_54 = tpu.matmul %select_n3A, %get3A_52, %dot_general3A_53 {dimension_numbers = #tpu.dot_dimension_numbers<[1], [0], [0], [1], [0, 0, 1, 1], [], []>, transpose_lhs_hint = false} : vector<2048x64xf32>, vector<64x128xf32>, vector<2048x128xf32> -> vector<2048x128xf32>
    %get3A_55 = arith.constant 0 : index
    %get3A_56 = arith.constant 0 : index
    %get3A_57 = vector.load %arg9[%get3A_55, %get3A_56] : memref<1x128xf32, #tpu.memory_space<vmem>>, vector<1x128xf32>
    %add3A_58 = vector.broadcast %get3A_57 : vector<1x128xf32> to vector<2048x128xf32>
    %add3A_59 = arith.addf %dot_general3A_54, %add3A_58 : vector<2048x128xf32>
    %reduce_sum3A = arith.constant dense<0.000000e+00> : vector<128xf32>
    %reduce_sum3A_60 = vector.multi_reduction <add>, %add3A_59, %reduce_sum3A [0] : vector<2048x128xf32> to vector<128xf32>
    %broadcast_in_dim3A_61 = vector.shape_cast %reduce_sum3A_60 : vector<128xf32> to vector<1x128xf32>
    %mul3A_62 = arith.mulf %add3A_59, %add3A_59 : vector<2048x128xf32>
    %reduce_sum3A_63 = arith.constant dense<0.000000e+00> : vector<128xf32>
    %reduce_sum3A_64 = vector.multi_reduction <add>, %mul3A_62, %reduce_sum3A_63 [0] : vector<2048x128xf32> to vector<128xf32>
    %broadcast_in_dim3A_65 = vector.shape_cast %reduce_sum3A_64 : vector<128xf32> to vector<1x128xf32>
    %eq3A = arith.constant 0 : i32
    %eq3A_66 = arith.cmpi eq, %arg0, %eq3A : i32
    %convert_element_type3A = arith.extui %eq3A_66 : i1 to i32
    %cond3A = arith.constant 0 : i32
    %cond3A_67 = arith.cmpi ne, %convert_element_type3A, %cond3A : i32
    scf.if %cond3A_67 {
      %broadcast_in_dim3A_95 = arith.constant 0.000000e+00 : f32
      %broadcast_in_dim3A_96 = vector.broadcast %broadcast_in_dim3A_95 : f32 to vector<8x128xf32>
      %swap3A_97 = arith.constant 0 : index
      %swap3A_98 = arith.constant 0 : index
      %swap3A_99 = vector.load %arg13[%swap3A_97, %swap3A_98] : memref<8x128xf32, #tpu.memory_space<vmem>>, vector<8x128xf32>
      tpu.vector_store %arg13[%swap3A_97, %swap3A_98], %broadcast_in_dim3A_96 {strides = array<i32>} : memref<8x128xf32, #tpu.memory_space<vmem>>, vector<8x128xf32>,
    } else {
    }
    %get3A_68 = arith.constant 0 : index
    %get3A_69 = arith.constant 0 : index
    %get3A_70 = vector.load %arg13[%get3A_68, %get3A_69] : memref<8x128xf32, #tpu.memory_space<vmem>>, vector<1x128xf32>
    %add3A_71 = arith.addf %get3A_70, %broadcast_in_dim3A_61 : vector<1x128xf32>
    %swap3A = arith.constant 0 : index
    %swap3A_72 = arith.constant 0 : index
    %swap3A_73 = vector.load %arg13[%swap3A, %swap3A_72] : memref<8x128xf32, #tpu.memory_space<vmem>>, vector<1x128xf32>
    tpu.vector_store %arg13[%swap3A, %swap3A_72], %add3A_71 {strides = array<i32>} : memref<8x128xf32, #tpu.memory_space<vmem>>, vector<1x128xf32>,
    %get3A_74 = arith.constant 1 : index
    %get3A_75 = arith.constant 0 : index
    %get3A_76 = vector.load %arg13[%get3A_74, %get3A_75] : memref<8x128xf32, #tpu.memory_space<vmem>>, vector<1x128xf32>
    %add3A_77 = arith.addf %get3A_76, %broadcast_in_dim3A_65 : vector<1x128xf32>
    %swap3A_78 = arith.constant 1 : index
    %swap3A_79 = arith.constant 0 : index
    %swap3A_80 = vector.load %arg13[%swap3A_78, %swap3A_79] : memref<8x128xf32, #tpu.memory_space<vmem>>, vector<1x128xf32>
    tpu.vector_store %arg13[%swap3A_78, %swap3A_79], %add3A_77 {strides = array<i32>} : memref<8x128xf32, #tpu.memory_space<vmem>>, vector<1x128xf32>,
    %reshape3A_81 = vector.shape_cast %add3A_59 : vector<2048x128xf32> to vector<64x32x128xf32>
    %reduce_max3A = arith.constant dense<0xFF800000> : vector<64x128xf32>
    %reduce_max3A_82 = vector.multi_reduction <maximumf>, %reshape3A_81, %reduce_max3A [1] : vector<64x32x128xf32> to vector<64x128xf32>
    %swap3A_83 = arith.constant 0 : index
    %swap3A_84 = arith.constant 0 : index
    %swap3A_85 = vector.load %arg10[%swap3A_83, %swap3A_84] : memref<64x128xf32, #tpu.memory_space<vmem>>, vector<64x128xf32>
    tpu.vector_store %arg10[%swap3A_83, %swap3A_84], %reduce_max3A_82 {strides = array<i32>} : memref<64x128xf32, #tpu.memory_space<vmem>>, vector<64x128xf32>,
    %reduce_min3A = arith.constant dense<0x7F800000> : vector<64x128xf32>
    %reduce_min3A_86 = vector.multi_reduction <minimumf>, %reshape3A_81, %reduce_min3A [1] : vector<64x32x128xf32> to vector<64x128xf32>
    %swap3A_87 = arith.constant 0 : index
    %swap3A_88 = arith.constant 0 : index
    %swap3A_89 = vector.load %arg11[%swap3A_87, %swap3A_88] : memref<64x128xf32, #tpu.memory_space<vmem>>, vector<64x128xf32>
    tpu.vector_store %arg11[%swap3A_87, %swap3A_88], %reduce_min3A_86 {strides = array<i32>} : memref<64x128xf32, #tpu.memory_space<vmem>>, vector<64x128xf32>,
    %eq3A_90 = arith.constant 31 : i32
    %eq3A_91 = arith.cmpi eq, %arg0, %eq3A_90 : i32
    %convert_element_type3A_92 = arith.extui %eq3A_91 : i1 to i32
    %cond3A_93 = arith.constant 0 : i32
    %cond3A_94 = arith.cmpi ne, %convert_element_type3A_92, %cond3A_93 : i32
    scf.if %cond3A_94 {
      %get3A_95 = arith.constant 0 : index
      %get3A_96 = arith.constant 0 : index
      %get3A_97 = vector.load %arg13[%get3A_95, %get3A_96] : memref<8x128xf32, #tpu.memory_space<vmem>>, vector<8x128xf32>
      %swap3A_98 = arith.constant 0 : index
      %swap3A_99 = arith.constant 0 : index
      %swap3A_100 = vector.load %arg12[%swap3A_98, %swap3A_99] : memref<8x128xf32, #tpu.memory_space<vmem>>, vector<8x128xf32>
      tpu.vector_store %arg12[%swap3A_98, %swap3A_99], %get3A_97 {strides = array<i32>} : memref<8x128xf32, #tpu.memory_space<vmem>>, vector<8x128xf32>,
    } else {
    }
    return
  }
  func.func @transform_0(%arg0: i32) -> (i32, i32) {
    %c0_i32 = arith.constant 0 : i32
    %c0_i32_0 = arith.constant 0 : i32
    return %arg0, %c0_i32 : i32, i32
  }
  func.func @transform_1(%arg0: i32) -> (i32, i32) {
    %c0_i32 = arith.constant 0 : i32
    %c0_i32_0 = arith.constant 0 : i32
    return %arg0, %c0_i32 : i32, i32
  }
  func.func @transform_2(%arg0: i32) -> (i32, i32) {
    %c0_i32 = arith.constant 0 : i32
    %c0_i32_0 = arith.constant 0 : i32
    %c0_i32_1 = arith.constant 0 : i32
    return %c0_i32, %c0_i32_0 : i32, i32
  }
  func.func @transform_3(%arg0: i32) -> (i32, i32) {
    %c0_i32 = arith.constant 0 : i32
    %c0_i32_0 = arith.constant 0 : i32
    %c0_i32_1 = arith.constant 0 : i32
    return %c0_i32, %c0_i32_0 : i32, i32
  }
  func.func @transform_4(%arg0: i32) -> (i32, i32) {
    %c0_i32 = arith.constant 0 : i32
    %c0_i32_0 = arith.constant 0 : i32
    %c0_i32_1 = arith.constant 0 : i32
    return %c0_i32, %c0_i32_0 : i32, i32
  }
  func.func @transform_5(%arg0: i32) -> (i32, i32) {
    %c0_i32 = arith.constant 0 : i32
    %c0_i32_0 = arith.constant 0 : i32
    %c0_i32_1 = arith.constant 0 : i32
    return %c0_i32, %c0_i32_0 : i32, i32
  }
  func.func @transform_6(%arg0: i32) -> (i32, i32) {
    %c0_i32 = arith.constant 0 : i32
    %c0_i32_0 = arith.constant 0 : i32
    %c0_i32_1 = arith.constant 0 : i32
    return %c0_i32, %c0_i32_0 : i32, i32
  }
  func.func @transform_7(%arg0: i32) -> (i32, i32) {
    %c0_i32 = arith.constant 0 : i32
    %c0_i32_0 = arith.constant 0 : i32
    %c0_i32_1 = arith.constant 0 : i32
    return %c0_i32, %c0_i32_0 : i32, i32
  }
  func.func @transform_8(%arg0: i32) -> (i32, i32) {
    %c0_i32 = arith.constant 0 : i32
    %c0_i32_0 = arith.constant 0 : i32
    %c0_i32_1 = arith.constant 0 : i32
    return %c0_i32, %c0_i32_0 : i32, i32
  }
  func.func @transform_9(%arg0: i32) -> (i32, i32) {
    %c0_i32 = arith.constant 0 : i32
    %c0_i32_0 = arith.constant 0 : i32
    return %arg0, %c0_i32 : i32, i32
  }
  func.func @transform_10(%arg0: i32) -> (i32, i32) {
    %c0_i32 = arith.constant 0 : i32
    %c0_i32_0 = arith.constant 0 : i32
    return %arg0, %c0_i32 : i32, i32
  }
  func.func @transform_11(%arg0: i32) -> (i32, i32) {
    %c0_i32 = arith.constant 0 : i32
    %c0_i32_0 = arith.constant 0 : i32
    %c0_i32_1 = arith.constant 0 : i32
    return %c0_i32, %c0_i32_0 : i32, i32
  }
}

module attributes {stable_mosaic.version = 14 : i64} {
  func.func @_stats_body(%arg0: i32, %arg1: memref<2048x128xf32, #tpu.memory_space<vmem>>, %arg2: memref<64x128xf32, #tpu.memory_space<vmem>>, %arg3: memref<128x64xf32, #tpu.memory_space<vmem>>, %arg4: memref<1x64xf32, #tpu.memory_space<vmem>>, %arg5: memref<8x64xf32, #tpu.memory_space<vmem>>, %arg6: memref<8x64xf32, #tpu.memory_space<vmem>>) attributes {dimension_semantics = [#tpu.dimension_semantics<arbitrary>], iteration_bounds = array<i64: 32>, scalar_prefetch = 0 : i64, scratch_operands = 1 : i64, tpu.core_type = #tpu.core_type<tc>, window_params = [{transform_indices = @transform_0, window_bounds = array<i64: 2048, 128>}, {transform_indices = @transform_1, window_bounds = array<i64: 64, 128>}, {pipeline_mode = #tpu.pipeline_mode<synchronous>, transform_indices = @transform_2, window_bounds = array<i64: 128, 64>}, {pipeline_mode = #tpu.pipeline_mode<synchronous>, transform_indices = @transform_3, window_bounds = array<i64: 1, 64>}, {pipeline_mode = #tpu.pipeline_mode<synchronous>, transform_indices = @transform_4, window_bounds = array<i64: 8, 64>}]} {
    %get3A = arith.constant 0 : index
    %get3A_0 = arith.constant 0 : index
    %get3A_1 = vector.load %arg1[%get3A, %get3A_0] : memref<2048x128xf32, #tpu.memory_space<vmem>>, vector<2048x128xf32>
    %get3A_2 = arith.constant 0 : index
    %get3A_3 = arith.constant 0 : index
    %get3A_4 = vector.load %arg2[%get3A_2, %get3A_3] : memref<64x128xf32, #tpu.memory_space<vmem>>, vector<64x128xf32>
    %broadcast_in_dim3A = vector.shape_cast %get3A_4 : vector<64x128xf32> to vector<64x1x128xf32>
    %broadcast_in_dim3A_5 = vector.shape_cast %broadcast_in_dim3A : vector<64x1x128xf32> to vector<64x1x128xf32>
    %broadcast_in_dim3A_6 = vector.broadcast %broadcast_in_dim3A_5 : vector<64x1x128xf32> to vector<64x32x128xf32>
    %reshape3A = vector.shape_cast %broadcast_in_dim3A_6 : vector<64x32x128xf32> to vector<2048x128xf32>
    %slice3A = vector.extract_strided_slice %get3A_1 {offsets = [0, 0], sizes = [2048, 64], strides = [1, 1]} : vector<2048x128xf32> to vector<2048x64xf32>
    %slice3A_7 = vector.extract_strided_slice %reshape3A {offsets = [0, 0], sizes = [2048, 64], strides = [1, 1]} : vector<2048x128xf32> to vector<2048x64xf32>
    %sub3A = arith.subf %slice3A, %slice3A_7 : vector<2048x64xf32>
    %concatenate3A = tpu.concatenate %sub3A, %slice3A_7 in 1 : vector<2048x64xf32>, vector<2048x64xf32> -> vector<2048x128xf32>
    %get3A_8 = arith.constant 0 : index
    %get3A_9 = arith.constant 0 : index
    %get3A_10 = vector.load %arg3[%get3A_8, %get3A_9] : memref<128x64xf32, #tpu.memory_space<vmem>>, vector<128x64xf32>
    %dot_general3A = arith.constant dense<0.000000e+00> : vector<2048x64xf32>
    %dot_general3A_11 = tpu.matmul %concatenate3A, %get3A_10, %dot_general3A {dimension_numbers = #tpu.dot_dimension_numbers<[1], [0], [0], [1], [0, 0, 1, 1], [], []>, transpose_lhs_hint = false} : vector<2048x128xf32>, vector<128x64xf32>, vector<2048x64xf32> -> vector<2048x64xf32>
    %get3A_12 = arith.constant 0 : index
    %get3A_13 = arith.constant 0 : index
    %get3A_14 = vector.load %arg4[%get3A_12, %get3A_13] : memref<1x64xf32, #tpu.memory_space<vmem>>, vector<1x64xf32>
    %add3A = vector.broadcast %get3A_14 : vector<1x64xf32> to vector<2048x64xf32>
    %add3A_15 = arith.addf %dot_general3A_11, %add3A : vector<2048x64xf32>
    %reduce_sum3A = arith.constant dense<0.000000e+00> : vector<64xf32>
    %reduce_sum3A_16 = vector.multi_reduction <add>, %add3A_15, %reduce_sum3A [0] : vector<2048x64xf32> to vector<64xf32>
    %broadcast_in_dim3A_17 = vector.shape_cast %reduce_sum3A_16 : vector<64xf32> to vector<1x64xf32>
    %mul3A = arith.mulf %add3A_15, %add3A_15 : vector<2048x64xf32>
    %reduce_sum3A_18 = arith.constant dense<0.000000e+00> : vector<64xf32>
    %reduce_sum3A_19 = vector.multi_reduction <add>, %mul3A, %reduce_sum3A_18 [0] : vector<2048x64xf32> to vector<64xf32>
    %broadcast_in_dim3A_20 = vector.shape_cast %reduce_sum3A_19 : vector<64xf32> to vector<1x64xf32>
    %eq3A = arith.constant 0 : i32
    %eq3A_21 = arith.cmpi eq, %arg0, %eq3A : i32
    %convert_element_type3A = arith.extui %eq3A_21 : i1 to i32
    %cond3A = arith.constant 0 : i32
    %cond3A_22 = arith.cmpi ne, %convert_element_type3A, %cond3A : i32
    scf.if %cond3A_22 {
      %broadcast_in_dim3A_41 = arith.constant 0.000000e+00 : f32
      %broadcast_in_dim3A_42 = vector.broadcast %broadcast_in_dim3A_41 : f32 to vector<8x64xf32>
      %swap3A_43 = arith.constant 0 : index
      %swap3A_44 = arith.constant 0 : index
      %swap3A_45 = vector.load %arg6[%swap3A_43, %swap3A_44] : memref<8x64xf32, #tpu.memory_space<vmem>>, vector<8x64xf32>
      tpu.vector_store %arg6[%swap3A_43, %swap3A_44], %broadcast_in_dim3A_42 {strides = array<i32>} : memref<8x64xf32, #tpu.memory_space<vmem>>, vector<8x64xf32>,
    } else {
    }
    %get3A_23 = arith.constant 0 : index
    %get3A_24 = arith.constant 0 : index
    %get3A_25 = vector.load %arg6[%get3A_23, %get3A_24] : memref<8x64xf32, #tpu.memory_space<vmem>>, vector<1x64xf32>
    %add3A_26 = arith.addf %get3A_25, %broadcast_in_dim3A_17 : vector<1x64xf32>
    %swap3A = arith.constant 0 : index
    %swap3A_27 = arith.constant 0 : index
    %swap3A_28 = vector.load %arg6[%swap3A, %swap3A_27] : memref<8x64xf32, #tpu.memory_space<vmem>>, vector<1x64xf32>
    tpu.vector_store %arg6[%swap3A, %swap3A_27], %add3A_26 {strides = array<i32>} : memref<8x64xf32, #tpu.memory_space<vmem>>, vector<1x64xf32>,
    %get3A_29 = arith.constant 1 : index
    %get3A_30 = arith.constant 0 : index
    %get3A_31 = vector.load %arg6[%get3A_29, %get3A_30] : memref<8x64xf32, #tpu.memory_space<vmem>>, vector<1x64xf32>
    %add3A_32 = arith.addf %get3A_31, %broadcast_in_dim3A_20 : vector<1x64xf32>
    %swap3A_33 = arith.constant 1 : index
    %swap3A_34 = arith.constant 0 : index
    %swap3A_35 = vector.load %arg6[%swap3A_33, %swap3A_34] : memref<8x64xf32, #tpu.memory_space<vmem>>, vector<1x64xf32>
    tpu.vector_store %arg6[%swap3A_33, %swap3A_34], %add3A_32 {strides = array<i32>} : memref<8x64xf32, #tpu.memory_space<vmem>>, vector<1x64xf32>,
    %eq3A_36 = arith.constant 31 : i32
    %eq3A_37 = arith.cmpi eq, %arg0, %eq3A_36 : i32
    %convert_element_type3A_38 = arith.extui %eq3A_37 : i1 to i32
    %cond3A_39 = arith.constant 0 : i32
    %cond3A_40 = arith.cmpi ne, %convert_element_type3A_38, %cond3A_39 : i32
    scf.if %cond3A_40 {
      %get3A_41 = arith.constant 0 : index
      %get3A_42 = arith.constant 0 : index
      %get3A_43 = vector.load %arg6[%get3A_41, %get3A_42] : memref<8x64xf32, #tpu.memory_space<vmem>>, vector<8x64xf32>
      %swap3A_44 = arith.constant 0 : index
      %swap3A_45 = arith.constant 0 : index
      %swap3A_46 = vector.load %arg5[%swap3A_44, %swap3A_45] : memref<8x64xf32, #tpu.memory_space<vmem>>, vector<8x64xf32>
      tpu.vector_store %arg5[%swap3A_44, %swap3A_45], %get3A_43 {strides = array<i32>} : memref<8x64xf32, #tpu.memory_space<vmem>>, vector<8x64xf32>,
    } else {
    }
    return
  }
  func.func @transform_0(%arg0: i32) -> (i32, i32) {
    %c0_i32 = arith.constant 0 : i32
    %c0_i32_0 = arith.constant 0 : i32
    return %arg0, %c0_i32 : i32, i32
  }
  func.func @transform_1(%arg0: i32) -> (i32, i32) {
    %c0_i32 = arith.constant 0 : i32
    %c0_i32_0 = arith.constant 0 : i32
    return %arg0, %c0_i32 : i32, i32
  }
  func.func @transform_2(%arg0: i32) -> (i32, i32) {
    %c0_i32 = arith.constant 0 : i32
    %c0_i32_0 = arith.constant 0 : i32
    %c0_i32_1 = arith.constant 0 : i32
    return %c0_i32, %c0_i32_0 : i32, i32
  }
  func.func @transform_3(%arg0: i32) -> (i32, i32) {
    %c0_i32 = arith.constant 0 : i32
    %c0_i32_0 = arith.constant 0 : i32
    %c0_i32_1 = arith.constant 0 : i32
    return %c0_i32, %c0_i32_0 : i32, i32
  }
  func.func @transform_4(%arg0: i32) -> (i32, i32) {
    %c0_i32 = arith.constant 0 : i32
    %c0_i32_0 = arith.constant 0 : i32
    %c0_i32_1 = arith.constant 0 : i32
    return %c0_i32, %c0_i32_0 : i32, i32
  }
}

module attributes {stable_mosaic.version = 14 : i64} {
  func.func @_fin_body(%arg0: memref<2048x128xf32, #tpu.memory_space<vmem>>, %arg1: memref<2048x128xf32, #tpu.memory_space<vmem>>, %arg2: memref<8x128xf32, #tpu.memory_space<vmem>>, %arg3: memref<1x128xf32, #tpu.memory_space<vmem>>, %arg4: memref<1x128xf32, #tpu.memory_space<vmem>>, %arg5: memref<2048x128xf32, #tpu.memory_space<vmem>>) attributes {dimension_semantics = [], scalar_prefetch = 0 : i64, scratch_operands = 0 : i64, tpu.core_type = #tpu.core_type<tc>} {
    %get3A = arith.constant 0 : index
    %get3A_0 = arith.constant 0 : index
    %get3A_1 = vector.load %arg3[%get3A, %get3A_0] : memref<1x128xf32, #tpu.memory_space<vmem>>, vector<1x128xf32>
    %ge3A = arith.constant 0.000000e+00 : f32
    %ge3A_2 = vector.broadcast %ge3A : f32 to vector<1x128xf32>
    %ge3A_3 = arith.cmpf oge, %get3A_1, %ge3A_2 : vector<1x128xf32>
    %get3A_4 = arith.constant 0 : index
    %get3A_5 = arith.constant 0 : index
    %get3A_6 = vector.load %arg0[%get3A_4, %get3A_5] : memref<2048x128xf32, #tpu.memory_space<vmem>>, vector<2048x128xf32>
    %get3A_7 = arith.constant 0 : index
    %get3A_8 = arith.constant 0 : index
    %get3A_9 = vector.load %arg1[%get3A_7, %get3A_8] : memref<2048x128xf32, #tpu.memory_space<vmem>>, vector<2048x128xf32>
    %broadcast_in_dim3A = vector.shape_cast %ge3A_3 : vector<1x128xi1> to vector<1x128xi1>
    %broadcast_in_dim3A_10 = vector.broadcast %broadcast_in_dim3A : vector<1x128xi1> to vector<2048x128xi1>
    %select_n3A = arith.select %broadcast_in_dim3A_10, %get3A_6, %get3A_9 : vector<2048x128xi1>, vector<2048x128xf32>
    %get3A_11 = arith.constant 0 : index
    %get3A_12 = arith.constant 0 : index
    %get3A_13 = vector.load %arg2[%get3A_11, %get3A_12] : memref<8x128xf32, #tpu.memory_space<vmem>>, vector<1x128xf32>
    %mul3A = arith.constant 1.52587891E-5 : f32
    %mul3A_14 = vector.broadcast %mul3A : f32 to vector<1x128xf32>
    %mul3A_15 = arith.mulf %get3A_13, %mul3A_14 : vector<1x128xf32>
    %get3A_16 = arith.constant 1 : index
    %get3A_17 = arith.constant 0 : index
    %get3A_18 = vector.load %arg2[%get3A_16, %get3A_17] : memref<8x128xf32, #tpu.memory_space<vmem>>, vector<1x128xf32>
    %mul3A_19 = arith.constant 1.52587891E-5 : f32
    %mul3A_20 = vector.broadcast %mul3A_19 : f32 to vector<1x128xf32>
    %mul3A_21 = arith.mulf %get3A_18, %mul3A_20 : vector<1x128xf32>
    %mul3A_22 = arith.mulf %mul3A_15, %mul3A_15 : vector<1x128xf32>
    %sub3A = arith.subf %mul3A_21, %mul3A_22 : vector<1x128xf32>
    %add3A = arith.constant 9.99999974E-6 : f32
    %add3A_23 = vector.broadcast %add3A : f32 to vector<1x128xf32>
    %add3A_24 = arith.addf %sub3A, %add3A_23 : vector<1x128xf32>
    %sqrt3A = math.sqrt %add3A_24 : vector<1x128xf32>
    %sub3A_25 = vector.broadcast %mul3A_15 : vector<1x128xf32> to vector<2048x128xf32>
    %sub3A_26 = arith.subf %select_n3A, %sub3A_25 : vector<2048x128xf32>
    %div3A = vector.broadcast %sqrt3A : vector<1x128xf32> to vector<2048x128xf32>
    %div3A_27 = arith.divf %sub3A_26, %div3A : vector<2048x128xf32>
    %get3A_28 = arith.constant 0 : index
    %get3A_29 = arith.constant 0 : index
    %get3A_30 = vector.load %arg3[%get3A_28, %get3A_29] : memref<1x128xf32, #tpu.memory_space<vmem>>, vector<1x128xf32>
    %mul3A_31 = vector.broadcast %get3A_30 : vector<1x128xf32> to vector<2048x128xf32>
    %mul3A_32 = arith.mulf %div3A_27, %mul3A_31 : vector<2048x128xf32>
    %get3A_33 = arith.constant 0 : index
    %get3A_34 = arith.constant 0 : index
    %get3A_35 = vector.load %arg4[%get3A_33, %get3A_34] : memref<1x128xf32, #tpu.memory_space<vmem>>, vector<1x128xf32>
    %add3A_36 = vector.broadcast %get3A_35 : vector<1x128xf32> to vector<2048x128xf32>
    %add3A_37 = arith.addf %mul3A_32, %add3A_36 : vector<2048x128xf32>
    %ge3A_38 = arith.constant 0.000000e+00 : f32
    %ge3A_39 = vector.broadcast %ge3A_38 : f32 to vector<2048x128xf32>
    %ge3A_40 = arith.cmpf oge, %add3A_37, %ge3A_39 : vector<2048x128xf32>
    %mul3A_41 = arith.constant 2.000000e-01 : f32
    %mul3A_42 = vector.broadcast %mul3A_41 : f32 to vector<2048x128xf32>
    %mul3A_43 = arith.mulf %mul3A_42, %add3A_37 : vector<2048x128xf32>
    %select_n3A_44 = arith.select %ge3A_40, %add3A_37, %mul3A_43 : vector<2048x128xi1>, vector<2048x128xf32>
    %swap3A = arith.constant 0 : index
    %swap3A_45 = arith.constant 0 : index
    %swap3A_46 = vector.load %arg5[%swap3A, %swap3A_45] : memref<2048x128xf32, #tpu.memory_space<vmem>>, vector<2048x128xf32>
    tpu.vector_store %arg5[%swap3A, %swap3A_45], %select_n3A_44 {strides = array<i32>} : memref<2048x128xf32, #tpu.memory_space<vmem>>, vector<2048x128xf32>,
    return
  }
}

module attributes {stable_mosaic.version = 14 : i64} {
  func.func @_stats_body(%arg0: i32, %arg1: memref<512x128xf32, #tpu.memory_space<vmem>>, %arg2: memref<16x128xf32, #tpu.memory_space<vmem>>, %arg3: memref<256x128xf32, #tpu.memory_space<vmem>>, %arg4: memref<1x128xf32, #tpu.memory_space<vmem>>, %arg5: memref<8x128xf32, #tpu.memory_space<vmem>>, %arg6: memref<8x128xf32, #tpu.memory_space<vmem>>) attributes {dimension_semantics = [#tpu.dimension_semantics<arbitrary>], iteration_bounds = array<i64: 128>, scalar_prefetch = 0 : i64, scratch_operands = 1 : i64, tpu.core_type = #tpu.core_type<tc>, window_params = [{transform_indices = @transform_0, window_bounds = array<i64: 512, 128>}, {transform_indices = @transform_1, window_bounds = array<i64: 16, 128>}, {pipeline_mode = #tpu.pipeline_mode<synchronous>, transform_indices = @transform_2, window_bounds = array<i64: 256, 128>}, {pipeline_mode = #tpu.pipeline_mode<synchronous>, transform_indices = @transform_3, window_bounds = array<i64: 1, 128>}, {pipeline_mode = #tpu.pipeline_mode<synchronous>, transform_indices = @transform_4, window_bounds = array<i64: 8, 128>}]} {
    %get3A = arith.constant 0 : index
    %get3A_0 = arith.constant 0 : index
    %get3A_1 = vector.load %arg1[%get3A, %get3A_0] : memref<512x128xf32, #tpu.memory_space<vmem>>, vector<512x128xf32>
    %get3A_2 = arith.constant 0 : index
    %get3A_3 = arith.constant 0 : index
    %get3A_4 = vector.load %arg2[%get3A_2, %get3A_3] : memref<16x128xf32, #tpu.memory_space<vmem>>, vector<16x128xf32>
    %broadcast_in_dim3A = vector.shape_cast %get3A_4 : vector<16x128xf32> to vector<16x1x128xf32>
    %broadcast_in_dim3A_5 = vector.shape_cast %broadcast_in_dim3A : vector<16x1x128xf32> to vector<16x1x128xf32>
    %broadcast_in_dim3A_6 = vector.broadcast %broadcast_in_dim3A_5 : vector<16x1x128xf32> to vector<16x32x128xf32>
    %reshape3A = vector.shape_cast %broadcast_in_dim3A_6 : vector<16x32x128xf32> to vector<512x128xf32>
    %sub3A = arith.subf %get3A_1, %reshape3A : vector<512x128xf32>
    %concatenate3A = tpu.concatenate %sub3A, %reshape3A in 1 : vector<512x128xf32>, vector<512x128xf32> -> vector<512x256xf32>
    %get3A_7 = arith.constant 0 : index
    %get3A_8 = arith.constant 0 : index
    %get3A_9 = vector.load %arg3[%get3A_7, %get3A_8] : memref<256x128xf32, #tpu.memory_space<vmem>>, vector<256x128xf32>
    %dot_general3A = arith.constant dense<0.000000e+00> : vector<512x128xf32>
    %dot_general3A_10 = tpu.matmul %concatenate3A, %get3A_9, %dot_general3A {dimension_numbers = #tpu.dot_dimension_numbers<[1], [0], [0], [1], [0, 0, 1, 1], [], []>, transpose_lhs_hint = false} : vector<512x256xf32>, vector<256x128xf32>, vector<512x128xf32> -> vector<512x128xf32>
    %get3A_11 = arith.constant 0 : index
    %get3A_12 = arith.constant 0 : index
    %get3A_13 = vector.load %arg4[%get3A_11, %get3A_12] : memref<1x128xf32, #tpu.memory_space<vmem>>, vector<1x128xf32>
    %add3A = vector.broadcast %get3A_13 : vector<1x128xf32> to vector<512x128xf32>
    %add3A_14 = arith.addf %dot_general3A_10, %add3A : vector<512x128xf32>
    %reduce_sum3A = arith.constant dense<0.000000e+00> : vector<128xf32>
    %reduce_sum3A_15 = vector.multi_reduction <add>, %add3A_14, %reduce_sum3A [0] : vector<512x128xf32> to vector<128xf32>
    %broadcast_in_dim3A_16 = vector.shape_cast %reduce_sum3A_15 : vector<128xf32> to vector<1x128xf32>
    %mul3A = arith.mulf %add3A_14, %add3A_14 : vector<512x128xf32>
    %reduce_sum3A_17 = arith.constant dense<0.000000e+00> : vector<128xf32>
    %reduce_sum3A_18 = vector.multi_reduction <add>, %mul3A, %reduce_sum3A_17 [0] : vector<512x128xf32> to vector<128xf32>
    %broadcast_in_dim3A_19 = vector.shape_cast %reduce_sum3A_18 : vector<128xf32> to vector<1x128xf32>
    %eq3A = arith.constant 0 : i32
    %eq3A_20 = arith.cmpi eq, %arg0, %eq3A : i32
    %convert_element_type3A = arith.extui %eq3A_20 : i1 to i32
    %cond3A = arith.constant 0 : i32
    %cond3A_21 = arith.cmpi ne, %convert_element_type3A, %cond3A : i32
    scf.if %cond3A_21 {
      %broadcast_in_dim3A_40 = arith.constant 0.000000e+00 : f32
      %broadcast_in_dim3A_41 = vector.broadcast %broadcast_in_dim3A_40 : f32 to vector<8x128xf32>
      %swap3A_42 = arith.constant 0 : index
      %swap3A_43 = arith.constant 0 : index
      %swap3A_44 = vector.load %arg6[%swap3A_42, %swap3A_43] : memref<8x128xf32, #tpu.memory_space<vmem>>, vector<8x128xf32>
      tpu.vector_store %arg6[%swap3A_42, %swap3A_43], %broadcast_in_dim3A_41 {strides = array<i32>} : memref<8x128xf32, #tpu.memory_space<vmem>>, vector<8x128xf32>,
    } else {
    }
    %get3A_22 = arith.constant 0 : index
    %get3A_23 = arith.constant 0 : index
    %get3A_24 = vector.load %arg6[%get3A_22, %get3A_23] : memref<8x128xf32, #tpu.memory_space<vmem>>, vector<1x128xf32>
    %add3A_25 = arith.addf %get3A_24, %broadcast_in_dim3A_16 : vector<1x128xf32>
    %swap3A = arith.constant 0 : index
    %swap3A_26 = arith.constant 0 : index
    %swap3A_27 = vector.load %arg6[%swap3A, %swap3A_26] : memref<8x128xf32, #tpu.memory_space<vmem>>, vector<1x128xf32>
    tpu.vector_store %arg6[%swap3A, %swap3A_26], %add3A_25 {strides = array<i32>} : memref<8x128xf32, #tpu.memory_space<vmem>>, vector<1x128xf32>,
    %get3A_28 = arith.constant 1 : index
    %get3A_29 = arith.constant 0 : index
    %get3A_30 = vector.load %arg6[%get3A_28, %get3A_29] : memref<8x128xf32, #tpu.memory_space<vmem>>, vector<1x128xf32>
    %add3A_31 = arith.addf %get3A_30, %broadcast_in_dim3A_19 : vector<1x128xf32>
    %swap3A_32 = arith.constant 1 : index
    %swap3A_33 = arith.constant 0 : index
    %swap3A_34 = vector.load %arg6[%swap3A_32, %swap3A_33] : memref<8x128xf32, #tpu.memory_space<vmem>>, vector<1x128xf32>
    tpu.vector_store %arg6[%swap3A_32, %swap3A_33], %add3A_31 {strides = array<i32>} : memref<8x128xf32, #tpu.memory_space<vmem>>, vector<1x128xf32>,
    %eq3A_35 = arith.constant 127 : i32
    %eq3A_36 = arith.cmpi eq, %arg0, %eq3A_35 : i32
    %convert_element_type3A_37 = arith.extui %eq3A_36 : i1 to i32
    %cond3A_38 = arith.constant 0 : i32
    %cond3A_39 = arith.cmpi ne, %convert_element_type3A_37, %cond3A_38 : i32
    scf.if %cond3A_39 {
      %get3A_40 = arith.constant 0 : index
      %get3A_41 = arith.constant 0 : index
      %get3A_42 = vector.load %arg6[%get3A_40, %get3A_41] : memref<8x128xf32, #tpu.memory_space<vmem>>, vector<8x128xf32>
      %swap3A_43 = arith.constant 0 : index
      %swap3A_44 = arith.constant 0 : index
      %swap3A_45 = vector.load %arg5[%swap3A_43, %swap3A_44] : memref<8x128xf32, #tpu.memory_space<vmem>>, vector<8x128xf32>
      tpu.vector_store %arg5[%swap3A_43, %swap3A_44], %get3A_42 {strides = array<i32>} : memref<8x128xf32, #tpu.memory_space<vmem>>, vector<8x128xf32>,
    } else {
    }
    return
  }
  func.func @transform_0(%arg0: i32) -> (i32, i32) {
    %c0_i32 = arith.constant 0 : i32
    %c0_i32_0 = arith.constant 0 : i32
    return %arg0, %c0_i32 : i32, i32
  }
  func.func @transform_1(%arg0: i32) -> (i32, i32) {
    %c0_i32 = arith.constant 0 : i32
    %c0_i32_0 = arith.constant 0 : i32
    return %arg0, %c0_i32 : i32, i32
  }
  func.func @transform_2(%arg0: i32) -> (i32, i32) {
    %c0_i32 = arith.constant 0 : i32
    %c0_i32_0 = arith.constant 0 : i32
    %c0_i32_1 = arith.constant 0 : i32
    return %c0_i32, %c0_i32_0 : i32, i32
  }
  func.func @transform_3(%arg0: i32) -> (i32, i32) {
    %c0_i32 = arith.constant 0 : i32
    %c0_i32_0 = arith.constant 0 : i32
    %c0_i32_1 = arith.constant 0 : i32
    return %c0_i32, %c0_i32_0 : i32, i32
  }
  func.func @transform_4(%arg0: i32) -> (i32, i32) {
    %c0_i32 = arith.constant 0 : i32
    %c0_i32_0 = arith.constant 0 : i32
    %c0_i32_1 = arith.constant 0 : i32
    return %c0_i32, %c0_i32_0 : i32, i32
  }
}

module attributes {stable_mosaic.version = 14 : i64} {
  func.func @_main_body(%arg0: i32, %arg1: memref<512x128xf32, #tpu.memory_space<vmem>>, %arg2: memref<16x128xf32, #tpu.memory_space<vmem>>, %arg3: memref<256x128xf32, #tpu.memory_space<vmem>>, %arg4: memref<1x128xf32, #tpu.memory_space<vmem>>, %arg5: memref<8x128xf32, #tpu.memory_space<vmem>>, %arg6: memref<1x128xf32, #tpu.memory_space<vmem>>, %arg7: memref<1x128xf32, #tpu.memory_space<vmem>>, %arg8: memref<128x1024xf32, #tpu.memory_space<vmem>>, %arg9: memref<1x1024xf32, #tpu.memory_space<vmem>>, %arg10: memref<16x1024xf32, #tpu.memory_space<vmem>>, %arg11: memref<16x1024xf32, #tpu.memory_space<vmem>>, %arg12: memref<8x1024xf32, #tpu.memory_space<vmem>>, %arg13: memref<8x1024xf32, #tpu.memory_space<vmem>>) attributes {dimension_semantics = [#tpu.dimension_semantics<arbitrary>], iteration_bounds = array<i64: 128>, scalar_prefetch = 0 : i64, scratch_operands = 1 : i64, tpu.core_type = #tpu.core_type<tc>, window_params = [{transform_indices = @transform_0, window_bounds = array<i64: 512, 128>}, {transform_indices = @transform_1, window_bounds = array<i64: 16, 128>}, {pipeline_mode = #tpu.pipeline_mode<synchronous>, transform_indices = @transform_2, window_bounds = array<i64: 256, 128>}, {pipeline_mode = #tpu.pipeline_mode<synchronous>, transform_indices = @transform_3, window_bounds = array<i64: 1, 128>}, {pipeline_mode = #tpu.pipeline_mode<synchronous>, transform_indices = @transform_4, window_bounds = array<i64: 8, 128>}, {pipeline_mode = #tpu.pipeline_mode<synchronous>, transform_indices = @transform_5, window_bounds = array<i64: 1, 128>}, {pipeline_mode = #tpu.pipeline_mode<synchronous>, transform_indices = @transform_6, window_bounds = array<i64: 1, 128>}, {pipeline_mode = #tpu.pipeline_mode<synchronous>, transform_indices = @transform_7, window_bounds = array<i64: 128, 1024>}, {pipeline_mode = #tpu.pipeline_mode<synchronous>, transform_indices = @transform_8, window_bounds = array<i64: 1, 1024>}, {transform_indices = @transform_9, window_bounds = array<i64: 16, 1024>}, {transform_indices = @transform_10, window_bounds = array<i64: 16, 1024>}, {pipeline_mode = #tpu.pipeline_mode<synchronous>, transform_indices = @transform_11, window_bounds = array<i64: 8, 1024>}]} {
    %get3A = arith.constant 0 : index
    %get3A_0 = arith.constant 0 : index
    %get3A_1 = vector.load %arg1[%get3A, %get3A_0] : memref<512x128xf32, #tpu.memory_space<vmem>>, vector<512x128xf32>
    %get3A_2 = arith.constant 0 : index
    %get3A_3 = arith.constant 0 : index
    %get3A_4 = vector.load %arg2[%get3A_2, %get3A_3] : memref<16x128xf32, #tpu.memory_space<vmem>>, vector<16x128xf32>
    %broadcast_in_dim3A = vector.shape_cast %get3A_4 : vector<16x128xf32> to vector<16x1x128xf32>
    %broadcast_in_dim3A_5 = vector.shape_cast %broadcast_in_dim3A : vector<16x1x128xf32> to vector<16x1x128xf32>
    %broadcast_in_dim3A_6 = vector.broadcast %broadcast_in_dim3A_5 : vector<16x1x128xf32> to vector<16x32x128xf32>
    %reshape3A = vector.shape_cast %broadcast_in_dim3A_6 : vector<16x32x128xf32> to vector<512x128xf32>
    %sub3A = arith.subf %get3A_1, %reshape3A : vector<512x128xf32>
    %concatenate3A = tpu.concatenate %sub3A, %reshape3A in 1 : vector<512x128xf32>, vector<512x128xf32> -> vector<512x256xf32>
    %get3A_7 = arith.constant 0 : index
    %get3A_8 = arith.constant 0 : index
    %get3A_9 = vector.load %arg3[%get3A_7, %get3A_8] : memref<256x128xf32, #tpu.memory_space<vmem>>, vector<256x128xf32>
    %dot_general3A = arith.constant dense<0.000000e+00> : vector<512x128xf32>
    %dot_general3A_10 = tpu.matmul %concatenate3A, %get3A_9, %dot_general3A {dimension_numbers = #tpu.dot_dimension_numbers<[1], [0], [0], [1], [0, 0, 1, 1], [], []>, transpose_lhs_hint = false} : vector<512x256xf32>, vector<256x128xf32>, vector<512x128xf32> -> vector<512x128xf32>
    %get3A_11 = arith.constant 0 : index
    %get3A_12 = arith.constant 0 : index
    %get3A_13 = vector.load %arg4[%get3A_11, %get3A_12] : memref<1x128xf32, #tpu.memory_space<vmem>>, vector<1x128xf32>
    %add3A = vector.broadcast %get3A_13 : vector<1x128xf32> to vector<512x128xf32>
    %add3A_14 = arith.addf %dot_general3A_10, %add3A : vector<512x128xf32>
    %get3A_15 = arith.constant 0 : index
    %get3A_16 = arith.constant 0 : index
    %get3A_17 = vector.load %arg5[%get3A_15, %get3A_16] : memref<8x128xf32, #tpu.memory_space<vmem>>, vector<1x128xf32>
    %mul3A = arith.constant 1.52587891E-5 : f32
    %mul3A_18 = vector.broadcast %mul3A : f32 to vector<1x128xf32>
    %mul3A_19 = arith.mulf %get3A_17, %mul3A_18 : vector<1x128xf32>
    %get3A_20 = arith.constant 1 : index
    %get3A_21 = arith.constant 0 : index
    %get3A_22 = vector.load %arg5[%get3A_20, %get3A_21] : memref<8x128xf32, #tpu.memory_space<vmem>>, vector<1x128xf32>
    %mul3A_23 = arith.constant 1.52587891E-5 : f32
    %mul3A_24 = vector.broadcast %mul3A_23 : f32 to vector<1x128xf32>
    %mul3A_25 = arith.mulf %get3A_22, %mul3A_24 : vector<1x128xf32>
    %mul3A_26 = arith.mulf %mul3A_19, %mul3A_19 : vector<1x128xf32>
    %sub3A_27 = arith.subf %mul3A_25, %mul3A_26 : vector<1x128xf32>
    %add3A_28 = arith.constant 9.99999974E-6 : f32
    %add3A_29 = vector.broadcast %add3A_28 : f32 to vector<1x128xf32>
    %add3A_30 = arith.addf %sub3A_27, %add3A_29 : vector<1x128xf32>
    %sqrt3A = math.sqrt %add3A_30 : vector<1x128xf32>
    %sub3A_31 = vector.broadcast %mul3A_19 : vector<1x128xf32> to vector<512x128xf32>
    %sub3A_32 = arith.subf %add3A_14, %sub3A_31 : vector<512x128xf32>
    %div3A = vector.broadcast %sqrt3A : vector<1x128xf32> to vector<512x128xf32>
    %div3A_33 = arith.divf %sub3A_32, %div3A : vector<512x128xf32>
    %get3A_34 = arith.constant 0 : index
    %get3A_35 = arith.constant 0 : index
    %get3A_36 = vector.load %arg6[%get3A_34, %get3A_35] : memref<1x128xf32, #tpu.memory_space<vmem>>, vector<1x128xf32>
    %mul3A_37 = vector.broadcast %get3A_36 : vector<1x128xf32> to vector<512x128xf32>
    %mul3A_38 = arith.mulf %div3A_33, %mul3A_37 : vector<512x128xf32>
    %get3A_39 = arith.constant 0 : index
    %get3A_40 = arith.constant 0 : index
    %get3A_41 = vector.load %arg7[%get3A_39, %get3A_40] : memref<1x128xf32, #tpu.memory_space<vmem>>, vector<1x128xf32>
    %add3A_42 = vector.broadcast %get3A_41 : vector<1x128xf32> to vector<512x128xf32>
    %add3A_43 = arith.addf %mul3A_38, %add3A_42 : vector<512x128xf32>
    %ge3A = arith.constant 0.000000e+00 : f32
    %ge3A_44 = vector.broadcast %ge3A : f32 to vector<512x128xf32>
    %ge3A_45 = arith.cmpf oge, %add3A_43, %ge3A_44 : vector<512x128xf32>
    %mul3A_46 = arith.constant 2.000000e-01 : f32
    %mul3A_47 = vector.broadcast %mul3A_46 : f32 to vector<512x128xf32>
    %mul3A_48 = arith.mulf %mul3A_47, %add3A_43 : vector<512x128xf32>
    %select_n3A = arith.select %ge3A_45, %add3A_43, %mul3A_48 : vector<512x128xi1>, vector<512x128xf32>
    %get3A_49 = arith.constant 0 : index
    %get3A_50 = arith.constant 0 : index
    %get3A_51 = vector.load %arg8[%get3A_49, %get3A_50] : memref<128x1024xf32, #tpu.memory_space<vmem>>, vector<128x1024xf32>
    %dot_general3A_52 = arith.constant dense<0.000000e+00> : vector<512x1024xf32>
    %dot_general3A_53 = tpu.matmul %select_n3A, %get3A_51, %dot_general3A_52 {dimension_numbers = #tpu.dot_dimension_numbers<[1], [0], [0], [1], [0, 0, 1, 1], [], []>, transpose_lhs_hint = false} : vector<512x128xf32>, vector<128x1024xf32>, vector<512x1024xf32> -> vector<512x1024xf32>
    %get3A_54 = arith.constant 0 : index
    %get3A_55 = arith.constant 0 : index
    %get3A_56 = vector.load %arg9[%get3A_54, %get3A_55] : memref<1x1024xf32, #tpu.memory_space<vmem>>, vector<1x1024xf32>
    %add3A_57 = vector.broadcast %get3A_56 : vector<1x1024xf32> to vector<512x1024xf32>
    %add3A_58 = arith.addf %dot_general3A_53, %add3A_57 : vector<512x1024xf32>
    %reduce_sum3A = arith.constant dense<0.000000e+00> : vector<1024xf32>
    %reduce_sum3A_59 = vector.multi_reduction <add>, %add3A_58, %reduce_sum3A [0] : vector<512x1024xf32> to vector<1024xf32>
    %broadcast_in_dim3A_60 = vector.shape_cast %reduce_sum3A_59 : vector<1024xf32> to vector<1x1024xf32>
    %mul3A_61 = arith.mulf %add3A_58, %add3A_58 : vector<512x1024xf32>
    %reduce_sum3A_62 = arith.constant dense<0.000000e+00> : vector<1024xf32>
    %reduce_sum3A_63 = vector.multi_reduction <add>, %mul3A_61, %reduce_sum3A_62 [0] : vector<512x1024xf32> to vector<1024xf32>
    %broadcast_in_dim3A_64 = vector.shape_cast %reduce_sum3A_63 : vector<1024xf32> to vector<1x1024xf32>
    %eq3A = arith.constant 0 : i32
    %eq3A_65 = arith.cmpi eq, %arg0, %eq3A : i32
    %convert_element_type3A = arith.extui %eq3A_65 : i1 to i32
    %cond3A = arith.constant 0 : i32
    %cond3A_66 = arith.cmpi ne, %convert_element_type3A, %cond3A : i32
    scf.if %cond3A_66 {
      %broadcast_in_dim3A_94 = arith.constant 0.000000e+00 : f32
      %broadcast_in_dim3A_95 = vector.broadcast %broadcast_in_dim3A_94 : f32 to vector<8x1024xf32>
      %swap3A_96 = arith.constant 0 : index
      %swap3A_97 = arith.constant 0 : index
      %swap3A_98 = vector.load %arg13[%swap3A_96, %swap3A_97] : memref<8x1024xf32, #tpu.memory_space<vmem>>, vector<8x1024xf32>
      tpu.vector_store %arg13[%swap3A_96, %swap3A_97], %broadcast_in_dim3A_95 {strides = array<i32>} : memref<8x1024xf32, #tpu.memory_space<vmem>>, vector<8x1024xf32>,
    } else {
    }
    %get3A_67 = arith.constant 0 : index
    %get3A_68 = arith.constant 0 : index
    %get3A_69 = vector.load %arg13[%get3A_67, %get3A_68] : memref<8x1024xf32, #tpu.memory_space<vmem>>, vector<1x1024xf32>
    %add3A_70 = arith.addf %get3A_69, %broadcast_in_dim3A_60 : vector<1x1024xf32>
    %swap3A = arith.constant 0 : index
    %swap3A_71 = arith.constant 0 : index
    %swap3A_72 = vector.load %arg13[%swap3A, %swap3A_71] : memref<8x1024xf32, #tpu.memory_space<vmem>>, vector<1x1024xf32>
    tpu.vector_store %arg13[%swap3A, %swap3A_71], %add3A_70 {strides = array<i32>} : memref<8x1024xf32, #tpu.memory_space<vmem>>, vector<1x1024xf32>,
    %get3A_73 = arith.constant 1 : index
    %get3A_74 = arith.constant 0 : index
    %get3A_75 = vector.load %arg13[%get3A_73, %get3A_74] : memref<8x1024xf32, #tpu.memory_space<vmem>>, vector<1x1024xf32>
    %add3A_76 = arith.addf %get3A_75, %broadcast_in_dim3A_64 : vector<1x1024xf32>
    %swap3A_77 = arith.constant 1 : index
    %swap3A_78 = arith.constant 0 : index
    %swap3A_79 = vector.load %arg13[%swap3A_77, %swap3A_78] : memref<8x1024xf32, #tpu.memory_space<vmem>>, vector<1x1024xf32>
    tpu.vector_store %arg13[%swap3A_77, %swap3A_78], %add3A_76 {strides = array<i32>} : memref<8x1024xf32, #tpu.memory_space<vmem>>, vector<1x1024xf32>,
    %reshape3A_80 = vector.shape_cast %add3A_58 : vector<512x1024xf32> to vector<16x32x1024xf32>
    %reduce_max3A = arith.constant dense<0xFF800000> : vector<16x1024xf32>
    %reduce_max3A_81 = vector.multi_reduction <maximumf>, %reshape3A_80, %reduce_max3A [1] : vector<16x32x1024xf32> to vector<16x1024xf32>
    %swap3A_82 = arith.constant 0 : index
    %swap3A_83 = arith.constant 0 : index
    %swap3A_84 = vector.load %arg10[%swap3A_82, %swap3A_83] : memref<16x1024xf32, #tpu.memory_space<vmem>>, vector<16x1024xf32>
    tpu.vector_store %arg10[%swap3A_82, %swap3A_83], %reduce_max3A_81 {strides = array<i32>} : memref<16x1024xf32, #tpu.memory_space<vmem>>, vector<16x1024xf32>,
    %reduce_min3A = arith.constant dense<0x7F800000> : vector<16x1024xf32>
    %reduce_min3A_85 = vector.multi_reduction <minimumf>, %reshape3A_80, %reduce_min3A [1] : vector<16x32x1024xf32> to vector<16x1024xf32>
    %swap3A_86 = arith.constant 0 : index
    %swap3A_87 = arith.constant 0 : index
    %swap3A_88 = vector.load %arg11[%swap3A_86, %swap3A_87] : memref<16x1024xf32, #tpu.memory_space<vmem>>, vector<16x1024xf32>
    tpu.vector_store %arg11[%swap3A_86, %swap3A_87], %reduce_min3A_85 {strides = array<i32>} : memref<16x1024xf32, #tpu.memory_space<vmem>>, vector<16x1024xf32>,
    %eq3A_89 = arith.constant 127 : i32
    %eq3A_90 = arith.cmpi eq, %arg0, %eq3A_89 : i32
    %convert_element_type3A_91 = arith.extui %eq3A_90 : i1 to i32
    %cond3A_92 = arith.constant 0 : i32
    %cond3A_93 = arith.cmpi ne, %convert_element_type3A_91, %cond3A_92 : i32
    scf.if %cond3A_93 {
      %get3A_94 = arith.constant 0 : index
      %get3A_95 = arith.constant 0 : index
      %get3A_96 = vector.load %arg13[%get3A_94, %get3A_95] : memref<8x1024xf32, #tpu.memory_space<vmem>>, vector<8x1024xf32>
      %swap3A_97 = arith.constant 0 : index
      %swap3A_98 = arith.constant 0 : index
      %swap3A_99 = vector.load %arg12[%swap3A_97, %swap3A_98] : memref<8x1024xf32, #tpu.memory_space<vmem>>, vector<8x1024xf32>
      tpu.vector_store %arg12[%swap3A_97, %swap3A_98], %get3A_96 {strides = array<i32>} : memref<8x1024xf32, #tpu.memory_space<vmem>>, vector<8x1024xf32>,
    } else {
    }
    return
  }
  func.func @transform_0(%arg0: i32) -> (i32, i32) {
    %c0_i32 = arith.constant 0 : i32
    %c0_i32_0 = arith.constant 0 : i32
    return %arg0, %c0_i32 : i32, i32
  }
  func.func @transform_1(%arg0: i32) -> (i32, i32) {
    %c0_i32 = arith.constant 0 : i32
    %c0_i32_0 = arith.constant 0 : i32
    return %arg0, %c0_i32 : i32, i32
  }
  func.func @transform_2(%arg0: i32) -> (i32, i32) {
    %c0_i32 = arith.constant 0 : i32
    %c0_i32_0 = arith.constant 0 : i32
    %c0_i32_1 = arith.constant 0 : i32
    return %c0_i32, %c0_i32_0 : i32, i32
  }
  func.func @transform_3(%arg0: i32) -> (i32, i32) {
    %c0_i32 = arith.constant 0 : i32
    %c0_i32_0 = arith.constant 0 : i32
    %c0_i32_1 = arith.constant 0 : i32
    return %c0_i32, %c0_i32_0 : i32, i32
  }
  func.func @transform_4(%arg0: i32) -> (i32, i32) {
    %c0_i32 = arith.constant 0 : i32
    %c0_i32_0 = arith.constant 0 : i32
    %c0_i32_1 = arith.constant 0 : i32
    return %c0_i32, %c0_i32_0 : i32, i32
  }
  func.func @transform_5(%arg0: i32) -> (i32, i32) {
    %c0_i32 = arith.constant 0 : i32
    %c0_i32_0 = arith.constant 0 : i32
    %c0_i32_1 = arith.constant 0 : i32
    return %c0_i32, %c0_i32_0 : i32, i32
  }
  func.func @transform_6(%arg0: i32) -> (i32, i32) {
    %c0_i32 = arith.constant 0 : i32
    %c0_i32_0 = arith.constant 0 : i32
    %c0_i32_1 = arith.constant 0 : i32
    return %c0_i32, %c0_i32_0 : i32, i32
  }
  func.func @transform_7(%arg0: i32) -> (i32, i32) {
    %c0_i32 = arith.constant 0 : i32
    %c0_i32_0 = arith.constant 0 : i32
    %c0_i32_1 = arith.constant 0 : i32
    return %c0_i32, %c0_i32_0 : i32, i32
  }
  func.func @transform_8(%arg0: i32) -> (i32, i32) {
    %c0_i32 = arith.constant 0 : i32
    %c0_i32_0 = arith.constant 0 : i32
    %c0_i32_1 = arith.constant 0 : i32
    return %c0_i32, %c0_i32_0 : i32, i32
  }
  func.func @transform_9(%arg0: i32) -> (i32, i32) {
    %c0_i32 = arith.constant 0 : i32
    %c0_i32_0 = arith.constant 0 : i32
    return %arg0, %c0_i32 : i32, i32
  }
  func.func @transform_10(%arg0: i32) -> (i32, i32) {
    %c0_i32 = arith.constant 0 : i32
    %c0_i32_0 = arith.constant 0 : i32
    return %arg0, %c0_i32 : i32, i32
  }
  func.func @transform_11(%arg0: i32) -> (i32, i32) {
    %c0_i32 = arith.constant 0 : i32
    %c0_i32_0 = arith.constant 0 : i32
    %c0_i32_1 = arith.constant 0 : i32
    return %c0_i32, %c0_i32_0 : i32, i32
  }
}

module attributes {stable_mosaic.version = 14 : i64} {
  func.func @_head_body(%arg0: memref<2048x1024xf32, #tpu.memory_space<vmem>>, %arg1: memref<2048x1024xf32, #tpu.memory_space<vmem>>, %arg2: memref<8x1024xf32, #tpu.memory_space<vmem>>, %arg3: memref<1x1024xf32, #tpu.memory_space<vmem>>, %arg4: memref<1x1024xf32, #tpu.memory_space<vmem>>, %arg5: memref<1024x512xf32, #tpu.memory_space<vmem>>, %arg6: memref<1x512xf32, #tpu.memory_space<vmem>>, %arg7: memref<1x512xf32, #tpu.memory_space<vmem>>, %arg8: memref<1x512xf32, #tpu.memory_space<vmem>>, %arg9: memref<512x256xf32, #tpu.memory_space<vmem>>, %arg10: memref<1x256xf32, #tpu.memory_space<vmem>>, %arg11: memref<1x256xf32, #tpu.memory_space<vmem>>, %arg12: memref<1x256xf32, #tpu.memory_space<vmem>>, %arg13: memref<256x12xf32, #tpu.memory_space<vmem>>, %arg14: memref<1x12xf32, #tpu.memory_space<vmem>>, %arg15: memref<2048x12xf32, #tpu.memory_space<vmem>>) attributes {dimension_semantics = [], scalar_prefetch = 0 : i64, scratch_operands = 0 : i64, tpu.core_type = #tpu.core_type<tc>} {
    %get3A = arith.constant 0 : index
    %get3A_0 = arith.constant 0 : index
    %get3A_1 = vector.load %arg3[%get3A, %get3A_0] : memref<1x1024xf32, #tpu.memory_space<vmem>>, vector<1x1024xf32>
    %ge3A = arith.constant 0.000000e+00 : f32
    %ge3A_2 = vector.broadcast %ge3A : f32 to vector<1x1024xf32>
    %ge3A_3 = arith.cmpf oge, %get3A_1, %ge3A_2 : vector<1x1024xf32>
    %get3A_4 = arith.constant 0 : index
    %get3A_5 = arith.constant 0 : index
    %get3A_6 = vector.load %arg0[%get3A_4, %get3A_5] : memref<2048x1024xf32, #tpu.memory_space<vmem>>, vector<2048x1024xf32>
    %get3A_7 = arith.constant 0 : index
    %get3A_8 = arith.constant 0 : index
    %get3A_9 = vector.load %arg1[%get3A_7, %get3A_8] : memref<2048x1024xf32, #tpu.memory_space<vmem>>, vector<2048x1024xf32>
    %broadcast_in_dim3A = vector.shape_cast %ge3A_3 : vector<1x1024xi1> to vector<1x1024xi1>
    %broadcast_in_dim3A_10 = vector.broadcast %broadcast_in_dim3A : vector<1x1024xi1> to vector<2048x1024xi1>
    %select_n3A = arith.select %broadcast_in_dim3A_10, %get3A_6, %get3A_9 : vector<2048x1024xi1>, vector<2048x1024xf32>
    %get3A_11 = arith.constant 0 : index
    %get3A_12 = arith.constant 0 : index
    %get3A_13 = vector.load %arg2[%get3A_11, %get3A_12] : memref<8x1024xf32, #tpu.memory_space<vmem>>, vector<1x1024xf32>
    %mul3A = arith.constant 1.52587891E-5 : f32
    %mul3A_14 = vector.broadcast %mul3A : f32 to vector<1x1024xf32>
    %mul3A_15 = arith.mulf %get3A_13, %mul3A_14 : vector<1x1024xf32>
    %get3A_16 = arith.constant 1 : index
    %get3A_17 = arith.constant 0 : index
    %get3A_18 = vector.load %arg2[%get3A_16, %get3A_17] : memref<8x1024xf32, #tpu.memory_space<vmem>>, vector<1x1024xf32>
    %mul3A_19 = arith.constant 1.52587891E-5 : f32
    %mul3A_20 = vector.broadcast %mul3A_19 : f32 to vector<1x1024xf32>
    %mul3A_21 = arith.mulf %get3A_18, %mul3A_20 : vector<1x1024xf32>
    %mul3A_22 = arith.mulf %mul3A_15, %mul3A_15 : vector<1x1024xf32>
    %sub3A = arith.subf %mul3A_21, %mul3A_22 : vector<1x1024xf32>
    %add3A = arith.constant 9.99999974E-6 : f32
    %add3A_23 = vector.broadcast %add3A : f32 to vector<1x1024xf32>
    %add3A_24 = arith.addf %sub3A, %add3A_23 : vector<1x1024xf32>
    %sqrt3A = math.sqrt %add3A_24 : vector<1x1024xf32>
    %sub3A_25 = vector.broadcast %mul3A_15 : vector<1x1024xf32> to vector<2048x1024xf32>
    %sub3A_26 = arith.subf %select_n3A, %sub3A_25 : vector<2048x1024xf32>
    %div3A = vector.broadcast %sqrt3A : vector<1x1024xf32> to vector<2048x1024xf32>
    %div3A_27 = arith.divf %sub3A_26, %div3A : vector<2048x1024xf32>
    %get3A_28 = arith.constant 0 : index
    %get3A_29 = arith.constant 0 : index
    %get3A_30 = vector.load %arg3[%get3A_28, %get3A_29] : memref<1x1024xf32, #tpu.memory_space<vmem>>, vector<1x1024xf32>
    %mul3A_31 = vector.broadcast %get3A_30 : vector<1x1024xf32> to vector<2048x1024xf32>
    %mul3A_32 = arith.mulf %div3A_27, %mul3A_31 : vector<2048x1024xf32>
    %get3A_33 = arith.constant 0 : index
    %get3A_34 = arith.constant 0 : index
    %get3A_35 = vector.load %arg4[%get3A_33, %get3A_34] : memref<1x1024xf32, #tpu.memory_space<vmem>>, vector<1x1024xf32>
    %add3A_36 = vector.broadcast %get3A_35 : vector<1x1024xf32> to vector<2048x1024xf32>
    %add3A_37 = arith.addf %mul3A_32, %add3A_36 : vector<2048x1024xf32>
    %ge3A_38 = arith.constant 0.000000e+00 : f32
    %ge3A_39 = vector.broadcast %ge3A_38 : f32 to vector<2048x1024xf32>
    %ge3A_40 = arith.cmpf oge, %add3A_37, %ge3A_39 : vector<2048x1024xf32>
    %mul3A_41 = arith.constant 2.000000e-01 : f32
    %mul3A_42 = vector.broadcast %mul3A_41 : f32 to vector<2048x1024xf32>
    %mul3A_43 = arith.mulf %mul3A_42, %add3A_37 : vector<2048x1024xf32>
    %select_n3A_44 = arith.select %ge3A_40, %add3A_37, %mul3A_43 : vector<2048x1024xi1>, vector<2048x1024xf32>
    %get3A_45 = arith.constant 0 : index
    %get3A_46 = arith.constant 0 : index
    %get3A_47 = vector.load %arg5[%get3A_45, %get3A_46] : memref<1024x512xf32, #tpu.memory_space<vmem>>, vector<1024x512xf32>
    %dot_general3A = arith.constant dense<0.000000e+00> : vector<2048x512xf32>
    %dot_general3A_48 = tpu.matmul %select_n3A_44, %get3A_47, %dot_general3A {dimension_numbers = #tpu.dot_dimension_numbers<[1], [0], [0], [1], [0, 0, 1, 1], [], []>, transpose_lhs_hint = false} : vector<2048x1024xf32>, vector<1024x512xf32>, vector<2048x512xf32> -> vector<2048x512xf32>
    %get3A_49 = arith.constant 0 : index
    %get3A_50 = arith.constant 0 : index
    %get3A_51 = vector.load %arg6[%get3A_49, %get3A_50] : memref<1x512xf32, #tpu.memory_space<vmem>>, vector<1x512xf32>
    %add3A_52 = vector.broadcast %get3A_51 : vector<1x512xf32> to vector<2048x512xf32>
    %add3A_53 = arith.addf %dot_general3A_48, %add3A_52 : vector<2048x512xf32>
    %get3A_54 = arith.constant 0 : index
    %get3A_55 = arith.constant 0 : index
    %get3A_56 = vector.load %arg7[%get3A_54, %get3A_55] : memref<1x512xf32, #tpu.memory_space<vmem>>, vector<1x512xf32>
    %get3A_57 = arith.constant 0 : index
    %get3A_58 = arith.constant 0 : index
    %get3A_59 = vector.load %arg8[%get3A_57, %get3A_58] : memref<1x512xf32, #tpu.memory_space<vmem>>, vector<1x512xf32>
    %reduce_sum3A = arith.constant dense<0.000000e+00> : vector<512xf32>
    %reduce_sum3A_60 = vector.multi_reduction <add>, %add3A_53, %reduce_sum3A [0] : vector<2048x512xf32> to vector<512xf32>
    %broadcast_in_dim3A_61 = vector.shape_cast %reduce_sum3A_60 : vector<512xf32> to vector<1x512xf32>
    %mul3A_62 = arith.constant 4.8828125E-4 : f32
    %mul3A_63 = vector.broadcast %mul3A_62 : f32 to vector<1x512xf32>
    %mul3A_64 = arith.mulf %broadcast_in_dim3A_61, %mul3A_63 : vector<1x512xf32>
    %mul3A_65 = arith.mulf %add3A_53, %add3A_53 : vector<2048x512xf32>
    %reduce_sum3A_66 = arith.constant dense<0.000000e+00> : vector<512xf32>
    %reduce_sum3A_67 = vector.multi_reduction <add>, %mul3A_65, %reduce_sum3A_66 [0] : vector<2048x512xf32> to vector<512xf32>
    %broadcast_in_dim3A_68 = vector.shape_cast %reduce_sum3A_67 : vector<512xf32> to vector<1x512xf32>
    %mul3A_69 = arith.constant 4.8828125E-4 : f32
    %mul3A_70 = vector.broadcast %mul3A_69 : f32 to vector<1x512xf32>
    %mul3A_71 = arith.mulf %broadcast_in_dim3A_68, %mul3A_70 : vector<1x512xf32>
    %mul3A_72 = arith.mulf %mul3A_64, %mul3A_64 : vector<1x512xf32>
    %sub3A_73 = arith.subf %mul3A_71, %mul3A_72 : vector<1x512xf32>
    %add3A_74 = arith.constant 9.99999974E-6 : f32
    %add3A_75 = vector.broadcast %add3A_74 : f32 to vector<1x512xf32>
    %add3A_76 = arith.addf %sub3A_73, %add3A_75 : vector<1x512xf32>
    %sqrt3A_77 = math.sqrt %add3A_76 : vector<1x512xf32>
    %sub3A_78 = vector.broadcast %mul3A_64 : vector<1x512xf32> to vector<2048x512xf32>
    %sub3A_79 = arith.subf %add3A_53, %sub3A_78 : vector<2048x512xf32>
    %div3A_80 = vector.broadcast %sqrt3A_77 : vector<1x512xf32> to vector<2048x512xf32>
    %div3A_81 = arith.divf %sub3A_79, %div3A_80 : vector<2048x512xf32>
    %mul3A_82 = vector.broadcast %get3A_56 : vector<1x512xf32> to vector<2048x512xf32>
    %mul3A_83 = arith.mulf %div3A_81, %mul3A_82 : vector<2048x512xf32>
    %add3A_84 = vector.broadcast %get3A_59 : vector<1x512xf32> to vector<2048x512xf32>
    %add3A_85 = arith.addf %mul3A_83, %add3A_84 : vector<2048x512xf32>
    %ge3A_86 = arith.constant 0.000000e+00 : f32
    %ge3A_87 = vector.broadcast %ge3A_86 : f32 to vector<2048x512xf32>
    %ge3A_88 = arith.cmpf oge, %add3A_85, %ge3A_87 : vector<2048x512xf32>
    %mul3A_89 = arith.constant 2.000000e-01 : f32
    %mul3A_90 = vector.broadcast %mul3A_89 : f32 to vector<2048x512xf32>
    %mul3A_91 = arith.mulf %mul3A_90, %add3A_85 : vector<2048x512xf32>
    %select_n3A_92 = arith.select %ge3A_88, %add3A_85, %mul3A_91 : vector<2048x512xi1>, vector<2048x512xf32>
    %get3A_93 = arith.constant 0 : index
    %get3A_94 = arith.constant 0 : index
    %get3A_95 = vector.load %arg9[%get3A_93, %get3A_94] : memref<512x256xf32, #tpu.memory_space<vmem>>, vector<512x256xf32>
    %dot_general3A_96 = arith.constant dense<0.000000e+00> : vector<2048x256xf32>
    %dot_general3A_97 = tpu.matmul %select_n3A_92, %get3A_95, %dot_general3A_96 {dimension_numbers = #tpu.dot_dimension_numbers<[1], [0], [0], [1], [0, 0, 1, 1], [], []>, transpose_lhs_hint = false} : vector<2048x512xf32>, vector<512x256xf32>, vector<2048x256xf32> -> vector<2048x256xf32>
    %get3A_98 = arith.constant 0 : index
    %get3A_99 = arith.constant 0 : index
    %get3A_100 = vector.load %arg10[%get3A_98, %get3A_99] : memref<1x256xf32, #tpu.memory_space<vmem>>, vector<1x256xf32>
    %add3A_101 = vector.broadcast %get3A_100 : vector<1x256xf32> to vector<2048x256xf32>
    %add3A_102 = arith.addf %dot_general3A_97, %add3A_101 : vector<2048x256xf32>
    %get3A_103 = arith.constant 0 : index
    %get3A_104 = arith.constant 0 : index
    %get3A_105 = vector.load %arg11[%get3A_103, %get3A_104] : memref<1x256xf32, #tpu.memory_space<vmem>>, vector<1x256xf32>
    %get3A_106 = arith.constant 0 : index
    %get3A_107 = arith.constant 0 : index
    %get3A_108 = vector.load %arg12[%get3A_106, %get3A_107] : memref<1x256xf32, #tpu.memory_space<vmem>>, vector<1x256xf32>
    %reduce_sum3A_109 = arith.constant dense<0.000000e+00> : vector<256xf32>
    %reduce_sum3A_110 = vector.multi_reduction <add>, %add3A_102, %reduce_sum3A_109 [0] : vector<2048x256xf32> to vector<256xf32>
    %broadcast_in_dim3A_111 = vector.shape_cast %reduce_sum3A_110 : vector<256xf32> to vector<1x256xf32>
    %mul3A_112 = arith.constant 4.8828125E-4 : f32
    %mul3A_113 = vector.broadcast %mul3A_112 : f32 to vector<1x256xf32>
    %mul3A_114 = arith.mulf %broadcast_in_dim3A_111, %mul3A_113 : vector<1x256xf32>
    %mul3A_115 = arith.mulf %add3A_102, %add3A_102 : vector<2048x256xf32>
    %reduce_sum3A_116 = arith.constant dense<0.000000e+00> : vector<256xf32>
    %reduce_sum3A_117 = vector.multi_reduction <add>, %mul3A_115, %reduce_sum3A_116 [0] : vector<2048x256xf32> to vector<256xf32>
    %broadcast_in_dim3A_118 = vector.shape_cast %reduce_sum3A_117 : vector<256xf32> to vector<1x256xf32>
    %mul3A_119 = arith.constant 4.8828125E-4 : f32
    %mul3A_120 = vector.broadcast %mul3A_119 : f32 to vector<1x256xf32>
    %mul3A_121 = arith.mulf %broadcast_in_dim3A_118, %mul3A_120 : vector<1x256xf32>
    %mul3A_122 = arith.mulf %mul3A_114, %mul3A_114 : vector<1x256xf32>
    %sub3A_123 = arith.subf %mul3A_121, %mul3A_122 : vector<1x256xf32>
    %add3A_124 = arith.constant 9.99999974E-6 : f32
    %add3A_125 = vector.broadcast %add3A_124 : f32 to vector<1x256xf32>
    %add3A_126 = arith.addf %sub3A_123, %add3A_125 : vector<1x256xf32>
    %sqrt3A_127 = math.sqrt %add3A_126 : vector<1x256xf32>
    %sub3A_128 = vector.broadcast %mul3A_114 : vector<1x256xf32> to vector<2048x256xf32>
    %sub3A_129 = arith.subf %add3A_102, %sub3A_128 : vector<2048x256xf32>
    %div3A_130 = vector.broadcast %sqrt3A_127 : vector<1x256xf32> to vector<2048x256xf32>
    %div3A_131 = arith.divf %sub3A_129, %div3A_130 : vector<2048x256xf32>
    %mul3A_132 = vector.broadcast %get3A_105 : vector<1x256xf32> to vector<2048x256xf32>
    %mul3A_133 = arith.mulf %div3A_131, %mul3A_132 : vector<2048x256xf32>
    %add3A_134 = vector.broadcast %get3A_108 : vector<1x256xf32> to vector<2048x256xf32>
    %add3A_135 = arith.addf %mul3A_133, %add3A_134 : vector<2048x256xf32>
    %ge3A_136 = arith.constant 0.000000e+00 : f32
    %ge3A_137 = vector.broadcast %ge3A_136 : f32 to vector<2048x256xf32>
    %ge3A_138 = arith.cmpf oge, %add3A_135, %ge3A_137 : vector<2048x256xf32>
    %mul3A_139 = arith.constant 2.000000e-01 : f32
    %mul3A_140 = vector.broadcast %mul3A_139 : f32 to vector<2048x256xf32>
    %mul3A_141 = arith.mulf %mul3A_140, %add3A_135 : vector<2048x256xf32>
    %select_n3A_142 = arith.select %ge3A_138, %add3A_135, %mul3A_141 : vector<2048x256xi1>, vector<2048x256xf32>
    %get3A_143 = arith.constant 0 : index
    %get3A_144 = arith.constant 0 : index
    %get3A_145 = vector.load %arg13[%get3A_143, %get3A_144] : memref<256x12xf32, #tpu.memory_space<vmem>>, vector<256x12xf32>
    %dot_general3A_146 = arith.constant dense<0.000000e+00> : vector<2048x12xf32>
    %dot_general3A_147 = tpu.matmul %select_n3A_142, %get3A_145, %dot_general3A_146 {dimension_numbers = #tpu.dot_dimension_numbers<[1], [0], [0], [1], [0, 0, 1, 1], [], []>, transpose_lhs_hint = false} : vector<2048x256xf32>, vector<256x12xf32>, vector<2048x12xf32> -> vector<2048x12xf32>
    %get3A_148 = arith.constant 0 : index
    %get3A_149 = arith.constant 0 : index
    %get3A_150 = vector.load %arg14[%get3A_148, %get3A_149] : memref<1x12xf32, #tpu.memory_space<vmem>>, vector<1x12xf32>
    %add3A_151 = vector.broadcast %get3A_150 : vector<1x12xf32> to vector<2048x12xf32>
    %add3A_152 = arith.addf %dot_general3A_147, %add3A_151 : vector<2048x12xf32>
    %swap3A = arith.constant 0 : index
    %swap3A_153 = arith.constant 0 : index
    %swap3A_154 = vector.load %arg15[%swap3A, %swap3A_153] : memref<2048x12xf32, #tpu.memory_space<vmem>>, vector<2048x12xf32>
    tpu.vector_store %arg15[%swap3A, %swap3A_153], %add3A_152 {strides = array<i32>} : memref<2048x12xf32, #tpu.memory_space<vmem>>, vector<2048x12xf32>,
    return
  }
}

</mosaic_0001>

<sc_bundles>
// kernel: kernel.15.cloned.1.call-start
scs
__scs_entry_jumppad:
0x0: {  	(pc) =	sbr.rel $0x88, $3  }
0x1: {  	(tag) =	ssettag $0x0;
	lr =	simm.s32 $0x1  }
0x2: {  	[smem:$0x3F7D] =	sst lr;
	_ =	strace $0xD0000000  }
0x3: {  	_ = 	snop  }
0x4: {  	_ = 	snop  }
0x5: {  	_ = 	snop  }
0x6: {  	_ = 	snop  }
0x7: {  	_ = 	snop  }
__scs_overlays_trampoline_lowered:
0x8: {  	[smem:$0x3F8C] =	sst s0  }
0x9: {  	[smem:$0x3F8D] =	sst s1  }
0xa: {  	[smem:$0x3F8E] =	sst s2  }
0xb: {  	[smem:$0x3F8F] =	sst s3  }
0xc: {  	[smem:$0x3F90] =	sst s4  }
0xd: {  	[smem:$0x3F91] =	sst s5  }
0xe: {  	[smem:$0x3F92] =	sst s6  }
0xf: {  	[smem:$0x3F93] =	sst s7  }
0x10: {  	[smem:$0x3F94] =	sst s8  }
0x11: {  	[smem:$0x3F95] =	sst s9;
	s0 =	simm.s32 @!p0 $0x0  }
0x12: {  	s1 =	sld [smem:$0x3F7B];
	s0 =	simm.s32 @p0 $0x1  }
0x13: {  	[smem:$0x3F96] =	sst s0;
	s0 =	simm.s32 @!p1 $0x0  }
0x14: {  	s2 =	sld [smem:$0x3F7A];
	s0 =	simm.s32 @p1 $0x1  }
0x15: {  	[smem:$0x3F97] =	sst s0;
	s0 =	simm.s32 @!p2 $0x0  }
0x16: {  	s3 =	sld [smem:$0x3FDB];
	s0 =	simm.s32 @p2 $0x1  }
0x17: {  	s4 =	simm.s32 $0x1BF5;
	[smem:$0x3F99] =	sst s0  }
0x18: {  	s0 =	sld [smem:$0x3F7C];
	_ =	swait.ge [sflag:s4], $0x0  }
0x19: {  	s7 =	sld [smem:$0x3F7D]  }
0x1a: {  	s8 =	sadd.s32 $0xFFFFE003, lr  }
0x1b: {  	s9 =	sadd.s32 $0xFFFFFEF7, lr;
	s5 =	simm.s32 $0xFFFFFFFF;
	p2 =	slt.u32 s8, $0xFFFFF086  }
0x1c: {  	p1 =	slt.u32 s9, $0xF7A;
	s5 =	simm.s32 @!p2 $0x0  }
0x1d: {  	s5 =	simm.s32 @p1 $0x1;
	p0 =	seq.s32 s7, s2  }
0x1e: {  	s7 =	smul.u32 @!p0 $0xF7A, s2;
	p2 =	seq.s32 @!p0 s5, $0x0  }
0x1f: {  	s9 =	smul.u32 $0xF7A, s1;
	s8 =	simm.s32 @!p0 $0x1BF5;
	p2 =	por !p2, p0  }
0x20: {  	[sflag:s8] =	ssyncset.s32 @!p0 $0xFFFFF086;
	s6 =	sadd.s32 @!p0 s3, s7;
	s7 =	simm.s32 @!p0 $0x108  }
0x21: {  	s3 =	sadd.s32 s3, s9;
	s6 =	sadd.s32 @!p0 $0x88, s6;
	s7 =	simm.s32 @p2 $0x1082  }
0x22: {  	[simem:s7], [sflag:s8] =	dma.local @!p0 [hbm:s6], $0xF7A  }
0x23: {  	s9 =	sor.u32 $0xD0000000, s2;
	s6 =	simm.s32 $0x108;
	_ =	swait.ge @!p0 [sflag:s8], $0x0  }
0x24: {  	s3 =	sadd.s32 $0x88, s3;
	s6 =	simm.s32 @!p1 $0x1082;
	[sflag:s4] =	ssyncset.s32 $0xFFFFF086  }
0x25: {  	[simem:s6], [sflag:s4] =	dma.local [hbm:s3], $0xF7A  }
0x26: {  	[smem:$0x3F7D] =	sst s1;
	(tag) =	ssettag s2;
	_ =	strace s9  }
0x27: {  	s1 =	sld [smem:$0x3F8D]  }
0x28: {  	s2 =	sld [smem:$0x3F8E]  }
0x29: {  	s4 =	sld [smem:$0x3F90]  }
0x2a: {  	p0 =	seq.s32 s5, $0x0;
	s5 =	sld [smem:$0x3F91]  }
0x2b: {  	s6 =	sld [smem:$0x3F92]  }
0x2c: {  	s7 =	sld [smem:$0x3F93]  }
0x2d: {  	s3 =	simm.s32 $0x108;
	s8 =	sld [smem:$0x3F94]  }
0x2e: {  	s3 =	simm.s32 @!p0 $0x1082;
	s9 =	sld [smem:$0x3F95]  }
0x2f: {  	lr =	sadd.s32 s0, s3;
	s0 =	sld [smem:$0x3F8C]  }
0x30: {  	s3 =	sld [smem:$0x3F8F]  }
0x31: {  	[smem:$0x3F98] =	sst s10  }
0x32: {  	s10 =	sld [smem:$0x3F96];
	_ =	sdelay $0x3  }
0x33: {  	p0 =	seq.s32 s10, $0x1;
	s10 =	sld [smem:$0x3F98];
	_ =	sdelay $0x3  }
0x34: {  	[smem:$0x3F98] =	sst s10  }
0x35: {  	s10 =	sld [smem:$0x3F97];
	_ =	sdelay $0x3  }
0x36: {  	p1 =	seq.s32 s10, $0x1;
	s10 =	sld [smem:$0x3F98];
	_ =	sdelay $0x3  }
0x37: {  	[smem:$0x3F98] =	sst s10  }
0x38: {  	s10 =	sld [smem:$0x3F99]  }
0x39: {  	_ = 	snop;
	(pc) =	sbr.ind lr, $3  }
0x3a: {  	_ = 	snop  }
0x3b: {  	_ = 	snop  }
0x3c: {  	p2 =	seq.s32 s10, $0x1;
	s10 =	sld [smem:$0x3F98]  }
0x3d: {  	_ =	shalt  }
0x3e: {  	_ =	shalt  }
0x3f: {  	_ =	shalt  }
0x40: {  	_ =	shalt  }
0x41: {  	_ =	shalt  }
0x42: {  	_ =	shalt  }
0x43: {  	_ =	shalt  }
0x44: {  	_ =	shalt  }
0x45: {  	_ =	shalt  }
0x46: {  	_ =	shalt  }
0x47: {  	_ =	shalt  }
0x48: {  	_ =	shalt  }
0x49: {  	_ =	shalt  }
0x4a: {  	_ =	shalt  }
0x4b: {  	_ =	shalt  }
0x4c: {  	_ =	shalt  }
0x4d: {  	_ =	shalt  }
0x4e: {  	_ =	shalt  }
0x4f: {  	_ =	shalt  }
0x50: {  	_ =	shalt  }
0x51: {  	_ =	shalt  }
0x52: {  	_ =	shalt  }
0x53: {  	_ =	shalt  }
0x54: {  	_ =	shalt  }
0x55: {  	_ =	shalt  }
0x56: {  	_ =	shalt  }
0x57: {  	_ =	shalt  }
0x58: {  	_ =	shalt  }
0x59: {  	_ =	shalt  }
0x5a: {  	_ =	shalt  }
0x5b: {  	_ =	shalt  }
0x5c: {  	_ =	shalt  }
0x5d: {  	_ =	shalt  }
0x5e: {  	_ =	shalt  }
0x5f: {  	_ =	shalt  }
0x60: {  	_ =	shalt  }
0x61: {  	_ =	shalt  }
0x62: {  	_ =	shalt  }
0x63: {  	_ =	shalt  }
0x64: {  	_ =	shalt  }
0x65: {  	_ =	shalt  }
0x66: {  	_ =	shalt  }
0x67: {  	_ =	shalt  }
0x68: {  	_ =	shalt  }
0x69: {  	_ =	shalt  }
0x6a: {  	_ =	shalt  }
0x6b: {  	_ =	shalt  }
0x6c: {  	_ =	shalt  }
0x6d: {  	_ =	shalt  }
0x6e: {  	_ =	shalt  }
0x6f: {  	_ =	shalt  }
0x70: {  	_ =	shalt  }
0x71: {  	_ =	shalt  }
0x72: {  	_ =	shalt  }
0x73: {  	_ =	shalt  }
0x74: {  	_ =	shalt  }
0x75: {  	_ =	shalt  }
0x76: {  	_ =	shalt  }
0x77: {  	_ =	shalt  }
0x78: {  	_ =	shalt  }
0x79: {  	_ =	shalt  }
0x7a: {  	_ =	shalt  }
0x7b: {  	_ =	shalt  }
0x7c: {  	_ =	shalt  }
0x7d: {  	_ =	shalt  }
0x7e: {  	_ =	shalt  }
0x7f: {  	_ =	shalt  }
0x80: {  	_ =	shalt  }
0x81: {  	_ =	shalt  }
0x82: {  	_ =	shalt  }
0x83: {  	_ =	shalt  }
0x84: {  	_ =	shalt  }
0x85: {  	_ =	shalt  }
0x86: {  	_ =	shalt  }
0x87: {  	_ =	shalt  }
.Lfunc_end0:
.L_simem_size_0:
called_computation_lowered:
.L_overlay_start_0:
0x88: {  	s2 =	sld [smem:$0x3FD9]  }
0x89: {  	s3 =	sld [smem:$0x3FFE];
	_ =	sdelay $0x1  }
0x8a: {  	s1 =	srdreg.scid  }
0x8b: {  	s0 =	sand.u32 $0x1, s1  }
0x8c: {  	s16 =	sshll.u32 s0, $0xA;
	s2 =	sadd.s32 s3, s2  }
0x8d: {  	s2 =	sadd.s32 s2, s16  }
0x8e: {  	[smem:$0x3FA4] =	sst s2  }
0x8f: {  	_ = 	snop  }
0x90: {  	(tm) =	ssettm $0x1  }
0x91: {  	s17 =	sld [smem:$0x3FFB];
	_ =	sdelay $0x3  }
0x92: {  	_ =	strace s17  }
0x93: {  	s2 =	sld [smem:$0x3FFC];
	_ =	sdelay $0x3  }
0x94: {  	_ =	strace s2  }
0x95: {  	s2 =	sld [smem:$0x3FFD];
	_ =	sdelay $0x3  }
0x96: {  	_ =	strace s2  }
0x97: {  	_ =	strace $0x8FFFFFFF  }
0x98: {  	s18 =	sld [smem:$0x3FDB];
	_ =	sdelay $0x1  }
0x99: {  	s19 =	simm.s32 $_scs_section_size  }
0x9a: {  	s4 =	simm.s32 $_size__tile_overlayer_lowered;
	s5 =	simm.s32 $_tile_overlayer_lowered  }
0x9b: {  	s22 =	simm.s32 $0x1BFF;
	s21 =	sshll.u32 s5, $0x1;
	s2 =	sadd.s32 s19, s18  }
0x9c: {  	s6 =	simm.s32 $0x0;
	s20 =	sshll.u32 s4, $0x1;
	s4 =	sadd.s32 s21, s2  }
0x9d: {  	[timem:s6], [sflag:s22] =	dma.local [hbm:s4], s20  }
0x9e: {  	_ =	swait.ge [sflag:s22], s20  }
0x9f: {  	s3 =	ssub.s32 $0x0, s20;
	[sflag:s22] =	ssyncset.done $0x0  }
0xa0: {  	[sflag:s22] =	ssyncadd.s32 s3;
	_ =	sdelay $0x1  }
0xa1: {  	s23 =	simm.s32 $0x1B8B  }
0xa2: {  	_ =	swait.ge [sflag:s23], $0x1  }
0xa3: {  	[sflag:s23] =	ssyncset.done $0x0  }
0xa4: {  	s25 =	simm.s32 $0x1B8E;
	s24 =	sld [smem:$0x3FFE];
	[sflag:s23] =	ssyncadd.s32 $0xFFFFFFFF  }
0xa5: {  	s26 =	simm.s32 $execute0_lowered;
	[smem:$0x3FD2] =	sst s25  }
0xa6: {  	s4 =	sshll.u32 s26, $0x1;
	_ =	strace $0x80000046;
	[dreg:$0x1] =	wrdreg $0xFFFFFFFF  }
0xa7: {  	s28 =	simm.s32 $_size_execute0_lowered;
	s2 =	sadd.s32 s2, s4;
	[dreg:$0x0] =	wrdreg $0x0  }
0xa8: {  	s4 =	sshll.u32 s28, $0x1;
	[dreg:$0x2] =	wrdreg s2  }
0xa9: {  	[dreg:$0x3] =	wrdreg s4  }
0xaa: {  	[dreg:$0x4] =	wrdreg $0xC0  }
0xab: {  	_ =	task [dreg:s6], $0x5FFFF  }
0xac: {  	[dreg:$0x1] =	wrdreg $0xFFFFFFFF  }
0xad: {  	[dreg:$0x0] =	wrdreg $0x60  }
0xae: {  	[dreg:$0x2] =	wrdreg s24  }
0xaf: {  	[dreg:$0x3] =	wrdreg $0x9  }
0xb0: {  	_ =	task.clear_ibuf [dreg:s6], $0x4FFFF;
	_ =	strace $0x90000046  }
0xb1: {  	s29 =	simm.s32 $0x9;
	_ =	strace $0x80000048  }
0xb2: {  	_ =	swait.ge [sflag:s29], $0x1  }
0xb3: {  	[sflag:s29] =	ssyncadd.s32 $0xFFFFFFFF  }
0xb4: {  	_ =	strace $0x90000048  }
0xb5: {  	_ =	sfence  }
0xb6: {  	s30 =	sld [smem:$0x0];
	_ =	sdelay $0x2  }
0xb7: {  	s31 =	sshll.u32 s1, $0xD;
	s1 =	sshrl.u32 s1, $0x2  }
0xb8: {  	s3 =	sand.u32 $0x4000, s31;
	s1 =	sadd.s32 s1, s30  }
0xb9: {  	s0 =	sor.u32 s3, s0;
	s1 =	sshll.u32 s1, $0x11  }
0xba: {  	s0 =	sor.u32 s1, s0  }
0xbb: {  	s0 =	sadd.s32 $0x8F2B, s0  }
0xbc: {  	[sflag:s0] =	ssyncadd.remote.s32 $0x1  }
0xbd: {  	_ =	sfence.sel $0xFFFF  }
0xbe: {  	[dreg:$0x0] =	wrdreg $0xFFFFFFFF;
	(pc) =	sbr.abs _section_cstart, $3  }
0xbf: {  	[dreg:$0x1] =	wrdreg $0xFFFFFFFF  }
0xc0: {  	_ =	task.clear_ibuf [dreg:s6], $0x2FFFF;
	_ =	strace $0x9FFFFFFF  }
0xc1: {  	(tm) =	ssettm $0x7FFFFFFF  }
tec
execute0_lowered:
.L_overlay_start_1:
0x0: {  	(tag) =	ssettag $0x1  }
0x1: {  	s4 =	rddreg [dreg:$0x0]  }
0x2: {  	s0 =	rddreg [dreg:$0x1];
	s2 =	simm.s32 $0x0;
	s3 =	srdreg.scid  }
0x3: {  	s1 =	stileid.u32;
	s10 =	simm.s32 $0x0;
	[smem:$0x7FF] =	sst s2  }
0x4: {  	s5 =	sand.u32 $0x1, s3;
	s6 =	sshll.u32 s1, $0xC;
	s3 =	sadd.s32 $0x8200, s4  }
0x5: {  	s8 =	sshll.u32 s1, $0x10;
	_ =	strace $0x80000047;
	s7 =	sshll.u32 s5, $0xB  }
0x6: {  	s31 =	ssub.s32 $0x2, s5;
	s8 =	sadd.s32 s8, s4;
	s5 =	sshll.u32 s5, $0xF  }
0x7: {  	s6 =	sor.u32 s7, s6;
	s9 =	sshrl.u32 s31, $0x1;
	s5 =	sadd.s32 s5, s8  }
0x8: {  	s8 =	simm.s32 $0x80;
	s6 =	sshrl.u32 s6, $0x3;
	s7 =	ssub.s32 s31, s9  }
0x9: {  	s5 =	sadd.s32 $0x10200, s5;
	s9 =	simm.s32 $0x1;
	s6 =	sadd.s32 s6, s4  }
0xa: {  	s4 =	smax.u32 s7, $0x1;
	s7 =	simm.s32 $0x2;
	s6 =	sadd.s32 $0x6200, s6  }
.LBB2_1:
0xb: {  	s11 =	sadd.s32 $0x0, s6  }
0xc: {  	[tilespmem:s2], [sflag:$0x2] =	stream.linear.gather [hbm4b:s11+s2], $0x80, $0x38;
	[tilespmem:$0x4080] =	vst v63  }
0xd: {  	_ =	swait.ge [sflag:s7], $0x80  }
0xe: {  	[sflag:s7] =	ssyncset.done $0x0  }
0xf: {  	[sflag:s7] =	ssyncadd.s32 $0xFFFFFF80  }
0x10: {  	[tilespmem:s8], [sflag:$0x1] =	stream.indirect.gather [hbm4b:s3+s8], $0x80, s2, s8, $0xb8;
	[tilespmem:$0x4080] =	vst v63  }
0x11: {  	_ =	swait.ge [sflag:s9], $0x4000  }
0x12: {  	[sflag:s9] =	ssyncset.done $0x0  }
0x13: {  	[sflag:s9] =	ssyncadd.s32 $0xFFFFC000  }
0x14: {  	[hbm4b:s5+s2] =	stream.linear.scatter [tilespmem:s8], [sflag:$0x2], $0x4000, $0x38;
	[tilespmem:$0x4080] =	vst v63  }
0x15: {  	s12 =	simm.s32 $0x10;
	_ =	swait.ge [sflag:s7], $0x4000  }
0x16: {  	s13 =	simm.s32 $0x20;
	s11 =	sadd.s32 $0x800, s5;
	[sflag:s7] =	ssyncset.done $0x0  }
.LBB2_2:
0x17: {  	s14 =	sadd.s32 s12, s6  }
0x18: {  	[sflag:s7] =	ssyncadd.s32 $0xFFFFC000;
	s12 =	smov.u32 s13;
	s15 =	sadd.s32 $0x10, s13  }
0x19: {  	[tilespmem:s2], [sflag:$0x2] =	stream.linear.gather [hbm4b:s14+s2], $0x80, $0x38;
	[tilespmem:$0x4080] =	vst v63  }
0x1a: {  	p0 =	sne.s32 s13, $0xF0;
	_ =	swait.ge [sflag:s7], $0x80  }
0x1b: {  	[sflag:s7] =	ssyncset.done $0x0  }
0x1c: {  	[sflag:s7] =	ssyncadd.s32 $0xFFFFFF80  }
0x1d: {  	[tilespmem:s8], [sflag:$0x1] =	stream.indirect.gather [hbm4b:s3+s8], $0x80, s2, s8, $0xb8;
	[tilespmem:$0x4080] =	vst v63  }
0x1e: {  	_ =	swait.ge [sflag:s9], $0x4000  }
.Ltmp0:
0x1f: {  	[sflag:s9] =	ssyncset.done $0x0;
	(pc) =	sbr.rel @p0 .LBB2_2-.Ltmp0, $4  }
0x20: {  	[sflag:s9] =	ssyncadd.s32 $0xFFFFC000  }
0x21: {  	[hbm4b:s11+s2] =	stream.linear.scatter [tilespmem:s8], [sflag:$0x2], $0x4000, $0x38;
	[tilespmem:$0x4080] =	vst v63  }
0x22: {  	_ =	swait.ge [sflag:s7], $0x4000  }
0x23: {  	s13 =	smov.u32 s15;
	s11 =	sadd.s32 $0x800, s11;
	[sflag:s7] =	ssyncset.done $0x0  }
0x24: {  	s12 =	sadd.s32 s12, s6;
	[sflag:s7] =	ssyncadd.s32 $0xFFFFC000  }
0x25: {  	[tilespmem:s2], [sflag:$0x2] =	stream.linear.gather [hbm4b:s12+s2], $0x80, $0x38;
	[tilespmem:$0x4080] =	vst v63  }
0x26: {  	_ =	swait.ge [sflag:s7], $0x80  }
0x27: {  	[sflag:s7] =	ssyncset.done $0x0  }
0x28: {  	[sflag:s7] =	ssyncadd.s32 $0xFFFFFF80  }
0x29: {  	[tilespmem:s8], [sflag:$0x1] =	stream.indirect.gather [hbm4b:s3+s8], $0x80, s2, s8, $0xb8;
	[tilespmem:$0x4080] =	vst v63  }
0x2a: {  	s10 =	sadd.s32 $0x1, s10;
	_ =	swait.ge [sflag:s9], $0x4000  }
0x2b: {  	p0 =	sne.s32 s10, s4;
	[sflag:s9] =	ssyncset.done $0x0  }
.Ltmp1:
0x2c: {  	[sflag:s9] =	ssyncadd.s32 $0xFFFFC000;
	(pc) =	sbr.rel @p0 .LBB2_1-.Ltmp1, $4  }
0x2d: {  	[hbm4b:s11+s2] =	stream.linear.scatter [tilespmem:s8], [sflag:$0x2], $0x4000, $0x38;
	[tilespmem:$0x4080] =	vst v63  }
0x2e: {  	_ =	swait.ge [sflag:s7], $0x4000  }
0x2f: {  	[sflag:s7] =	ssyncset.done $0x0  }
0x30: {  	[sflag:s7] =	ssyncadd.s32 $0xFFFFC000  }
0x31: {  	_ =	sfence.sel $0x180000  }
0x32: {  	[bflag:$0x0] =	sbarrier.arrive $0xFFFF  }
0x33: {  	p0 =	sne.s32 s1, $0x0;
	_ =	strace $0x90000047  }
0x34: {  	s0 =	sadd.s32 @!p0 $0x100000, s0;
	[bflag:$0x2] =	sbarrier.arrive $0xFFFF  }
0x35: {  	[sflag:s0] =	ssyncadd.tile.s32 @!p0 $0x1;
	_ =	shalt  }
.Lfunc_end2:
_tile_overlayer_lowered:
.L_overlay_start_2:
0x36: {  	(tag) =	ssettag $0x2  }
0x37: {  	s0 =	rddreg [dreg:$0x0];
	s2 =	stileid.u32  }
0x38: {  	s1 =	rddreg [dreg:$0x1];
	p0 =	sne.s32 s2, $0x0  }
0x39: {  	s3 =	rddreg [dreg:$0x2];
	[bflag:$0x3] =	sbarrier.arrive $0xFFFF;
	s2 =	simm.s32 @!p0 $0x1C02  }
0x3a: {  	[timem:s3], [sflag:s2] =	dma.local @!p0 [hbm:s0], s1  }
0x3b: {  	s0 =	simm.s32 @!p0 $0x2  }
0x3c: {  	_ =	swait.ge @!p0 [sflag:s0], s1  }
0x3d: {  	s1 =	ssub.s32 @!p0 $0x0, s1;
	[sflag:s0] =	ssyncset.done @!p0 $0x0  }
0x3e: {  	[sflag:s0] =	ssyncadd.s32 @!p0 s1  }
0x3f: {  	[bflag:$0x3] =	sbarrier.arrive $0xFFFF  }
0x40: {  	_ =	shalt  }

// kernel: kernel.18.cloned.1.call-start
scs
__scs_entry_jumppad:
0x0: {  	(pc) =	sbr.rel $0x88, $3  }
0x1: {  	(tag) =	ssettag $0x0;
	lr =	simm.s32 $0x1  }
0x2: {  	[smem:$0x3F7D] =	sst lr;
	_ =	strace $0xD0000000  }
0x3: {  	_ = 	snop  }
0x4: {  	_ = 	snop  }
0x5: {  	_ = 	snop  }
0x6: {  	_ = 	snop  }
0x7: {  	_ = 	snop  }
__scs_overlays_trampoline_lowered:
0x8: {  	[smem:$0x3F8C] =	sst s0  }
0x9: {  	[smem:$0x3F8D] =	sst s1  }
0xa: {  	[smem:$0x3F8E] =	sst s2  }
0xb: {  	[smem:$0x3F8F] =	sst s3  }
0xc: {  	[smem:$0x3F90] =	sst s4  }
0xd: {  	[smem:$0x3F91] =	sst s5  }
0xe: {  	[smem:$0x3F92] =	sst s6  }
0xf: {  	[smem:$0x3F93] =	sst s7  }
0x10: {  	[smem:$0x3F94] =	sst s8  }
0x11: {  	[smem:$0x3F95] =	sst s9;
	s0 =	simm.s32 @!p0 $0x0  }
0x12: {  	s1 =	sld [smem:$0x3F7B];
	s0 =	simm.s32 @p0 $0x1  }
0x13: {  	[smem:$0x3F96] =	sst s0;
	s0 =	simm.s32 @!p1 $0x0  }
0x14: {  	s2 =	sld [smem:$0x3F7A];
	s0 =	simm.s32 @p1 $0x1  }
0x15: {  	[smem:$0x3F97] =	sst s0;
	s0 =	simm.s32 @!p2 $0x0  }
0x16: {  	s3 =	sld [smem:$0x3FDB];
	s0 =	simm.s32 @p2 $0x1  }
0x17: {  	s4 =	simm.s32 $0x1BF5;
	[smem:$0x3F99] =	sst s0  }
0x18: {  	s0 =	sld [smem:$0x3F7C];
	_ =	swait.ge [sflag:s4], $0x0  }
0x19: {  	s7 =	sld [smem:$0x3F7D]  }
0x1a: {  	s8 =	sadd.s32 $0xFFFFE003, lr  }
0x1b: {  	s9 =	sadd.s32 $0xFFFFFEF7, lr;
	s5 =	simm.s32 $0xFFFFFFFF;
	p2 =	slt.u32 s8, $0xFFFFF086  }
0x1c: {  	p1 =	slt.u32 s9, $0xF7A;
	s5 =	simm.s32 @!p2 $0x0  }
0x1d: {  	s5 =	simm.s32 @p1 $0x1;
	p0 =	seq.s32 s7, s2  }
0x1e: {  	s7 =	smul.u32 @!p0 $0xF7A, s2;
	p2 =	seq.s32 @!p0 s5, $0x0  }
0x1f: {  	s9 =	smul.u32 $0xF7A, s1;
	s8 =	simm.s32 @!p0 $0x1BF5;
	p2 =	por !p2, p0  }
0x20: {  	[sflag:s8] =	ssyncset.s32 @!p0 $0xFFFFF086;
	s6 =	sadd.s32 @!p0 s3, s7;
	s7 =	simm.s32 @!p0 $0x108  }
0x21: {  	s3 =	sadd.s32 s3, s9;
	s6 =	sadd.s32 @!p0 $0x88, s6;
	s7 =	simm.s32 @p2 $0x1082  }
0x22: {  	[simem:s7], [sflag:s8] =	dma.local @!p0 [hbm:s6], $0xF7A  }
0x23: {  	s9 =	sor.u32 $0xD0000000, s2;
	s6 =	simm.s32 $0x108;
	_ =	swait.ge @!p0 [sflag:s8], $0x0  }
0x24: {  	s3 =	sadd.s32 $0x88, s3;
	s6 =	simm.s32 @!p1 $0x1082;
	[sflag:s4] =	ssyncset.s32 $0xFFFFF086  }
0x25: {  	[simem:s6], [sflag:s4] =	dma.local [hbm:s3], $0xF7A  }
0x26: {  	[smem:$0x3F7D] =	sst s1;
	(tag) =	ssettag s2;
	_ =	strace s9  }
0x27: {  	s1 =	sld [smem:$0x3F8D]  }
0x28: {  	s2 =	sld [smem:$0x3F8E]  }
0x29: {  	s4 =	sld [smem:$0x3F90]  }
0x2a: {  	p0 =	seq.s32 s5, $0x0;
	s5 =	sld [smem:$0x3F91]  }
0x2b: {  	s6 =	sld [smem:$0x3F92]  }
0x2c: {  	s7 =	sld [smem:$0x3F93]  }
0x2d: {  	s3 =	simm.s32 $0x108;
	s8 =	sld [smem:$0x3F94]  }
0x2e: {  	s3 =	simm.s32 @!p0 $0x1082;
	s9 =	sld [smem:$0x3F95]  }
0x2f: {  	lr =	sadd.s32 s0, s3;
	s0 =	sld [smem:$0x3F8C]  }
0x30: {  	s3 =	sld [smem:$0x3F8F]  }
0x31: {  	[smem:$0x3F98] =	sst s10  }
0x32: {  	s10 =	sld [smem:$0x3F96];
	_ =	sdelay $0x3  }
0x33: {  	p0 =	seq.s32 s10, $0x1;
	s10 =	sld [smem:$0x3F98];
	_ =	sdelay $0x3  }
0x34: {  	[smem:$0x3F98] =	sst s10  }
0x35: {  	s10 =	sld [smem:$0x3F97];
	_ =	sdelay $0x3  }
0x36: {  	p1 =	seq.s32 s10, $0x1;
	s10 =	sld [smem:$0x3F98];
	_ =	sdelay $0x3  }
0x37: {  	[smem:$0x3F98] =	sst s10  }
0x38: {  	s10 =	sld [smem:$0x3F99]  }
0x39: {  	_ = 	snop;
	(pc) =	sbr.ind lr, $3  }
0x3a: {  	_ = 	snop  }
0x3b: {  	_ = 	snop  }
0x3c: {  	p2 =	seq.s32 s10, $0x1;
	s10 =	sld [smem:$0x3F98]  }
0x3d: {  	_ =	shalt  }
0x3e: {  	_ =	shalt  }
0x3f: {  	_ =	shalt  }
0x40: {  	_ =	shalt  }
0x41: {  	_ =	shalt  }
0x42: {  	_ =	shalt  }
0x43: {  	_ =	shalt  }
0x44: {  	_ =	shalt  }
0x45: {  	_ =	shalt  }
0x46: {  	_ =	shalt  }
0x47: {  	_ =	shalt  }
0x48: {  	_ =	shalt  }
0x49: {  	_ =	shalt  }
0x4a: {  	_ =	shalt  }
0x4b: {  	_ =	shalt  }
0x4c: {  	_ =	shalt  }
0x4d: {  	_ =	shalt  }
0x4e: {  	_ =	shalt  }
0x4f: {  	_ =	shalt  }
0x50: {  	_ =	shalt  }
0x51: {  	_ =	shalt  }
0x52: {  	_ =	shalt  }
0x53: {  	_ =	shalt  }
0x54: {  	_ =	shalt  }
0x55: {  	_ =	shalt  }
0x56: {  	_ =	shalt  }
0x57: {  	_ =	shalt  }
0x58: {  	_ =	shalt  }
0x59: {  	_ =	shalt  }
0x5a: {  	_ =	shalt  }
0x5b: {  	_ =	shalt  }
0x5c: {  	_ =	shalt  }
0x5d: {  	_ =	shalt  }
0x5e: {  	_ =	shalt  }
0x5f: {  	_ =	shalt  }
0x60: {  	_ =	shalt  }
0x61: {  	_ =	shalt  }
0x62: {  	_ =	shalt  }
0x63: {  	_ =	shalt  }
0x64: {  	_ =	shalt  }
0x65: {  	_ =	shalt  }
0x66: {  	_ =	shalt  }
0x67: {  	_ =	shalt  }
0x68: {  	_ =	shalt  }
0x69: {  	_ =	shalt  }
0x6a: {  	_ =	shalt  }
0x6b: {  	_ =	shalt  }
0x6c: {  	_ =	shalt  }
0x6d: {  	_ =	shalt  }
0x6e: {  	_ =	shalt  }
0x6f: {  	_ =	shalt  }
0x70: {  	_ =	shalt  }
0x71: {  	_ =	shalt  }
0x72: {  	_ =	shalt  }
0x73: {  	_ =	shalt  }
0x74: {  	_ =	shalt  }
0x75: {  	_ =	shalt  }
0x76: {  	_ =	shalt  }
0x77: {  	_ =	shalt  }
0x78: {  	_ =	shalt  }
0x79: {  	_ =	shalt  }
0x7a: {  	_ =	shalt  }
0x7b: {  	_ =	shalt  }
0x7c: {  	_ =	shalt  }
0x7d: {  	_ =	shalt  }
0x7e: {  	_ =	shalt  }
0x7f: {  	_ =	shalt  }
0x80: {  	_ =	shalt  }
0x81: {  	_ =	shalt  }
0x82: {  	_ =	shalt  }
0x83: {  	_ =	shalt  }
0x84: {  	_ =	shalt  }
0x85: {  	_ =	shalt  }
0x86: {  	_ =	shalt  }
0x87: {  	_ =	shalt  }
.Lfunc_end0:
.L_simem_size_0:
called_computation.1_lowered:
.L_overlay_start_0:
0x88: {  	s2 =	sld [smem:$0x3FD9]  }
0x89: {  	s3 =	sld [smem:$0x3FFE];
	_ =	sdelay $0x1  }
0x8a: {  	s1 =	srdreg.scid  }
0x8b: {  	s0 =	sand.u32 $0x1, s1  }
0x8c: {  	s16 =	sshll.u32 s0, $0xA;
	s2 =	sadd.s32 s3, s2  }
0x8d: {  	s2 =	sadd.s32 s2, s16  }
0x8e: {  	[smem:$0x3FA4] =	sst s2  }
0x8f: {  	_ = 	snop  }
0x90: {  	(tm) =	ssettm $0x1  }
0x91: {  	s17 =	sld [smem:$0x3FFB];
	_ =	sdelay $0x3  }
0x92: {  	_ =	strace s17  }
0x93: {  	s2 =	sld [smem:$0x3FFC];
	_ =	sdelay $0x3  }
0x94: {  	_ =	strace s2  }
0x95: {  	s2 =	sld [smem:$0x3FFD];
	_ =	sdelay $0x3  }
0x96: {  	_ =	strace s2  }
0x97: {  	_ =	strace $0x8FFFFFFF  }
0x98: {  	s18 =	sld [smem:$0x3FDB];
	_ =	sdelay $0x1  }
0x99: {  	s19 =	simm.s32 $_scs_section_size  }
0x9a: {  	s4 =	simm.s32 $_size__tile_overlayer_lowered;
	s5 =	simm.s32 $_tile_overlayer_lowered  }
0x9b: {  	s22 =	simm.s32 $0x1BFF;
	s21 =	sshll.u32 s5, $0x1;
	s2 =	sadd.s32 s19, s18  }
0x9c: {  	s6 =	simm.s32 $0x0;
	s20 =	sshll.u32 s4, $0x1;
	s4 =	sadd.s32 s21, s2  }
0x9d: {  	[timem:s6], [sflag:s22] =	dma.local [hbm:s4], s20  }
0x9e: {  	_ =	swait.ge [sflag:s22], s20  }
0x9f: {  	s3 =	ssub.s32 $0x0, s20;
	[sflag:s22] =	ssyncset.done $0x0  }
0xa0: {  	[sflag:s22] =	ssyncadd.s32 s3;
	_ =	sdelay $0x1  }
0xa1: {  	s23 =	simm.s32 $0x1B8B  }
0xa2: {  	_ =	swait.ge [sflag:s23], $0x1  }
0xa3: {  	[sflag:s23] =	ssyncset.done $0x0  }
0xa4: {  	s25 =	simm.s32 $0x1B8E;
	s24 =	sld [smem:$0x3FFE];
	[sflag:s23] =	ssyncadd.s32 $0xFFFFFFFF  }
0xa5: {  	s26 =	simm.s32 $execute0_lowered;
	[smem:$0x3FD2] =	sst s25  }
0xa6: {  	s4 =	sshll.u32 s26, $0x1;
	_ =	strace $0x80000049;
	[dreg:$0x1] =	wrdreg $0xFFFFFFFF  }
0xa7: {  	s28 =	simm.s32 $_size_execute0_lowered;
	s2 =	sadd.s32 s2, s4;
	[dreg:$0x0] =	wrdreg $0x0  }
0xa8: {  	s4 =	sshll.u32 s28, $0x1;
	[dreg:$0x2] =	wrdreg s2  }
0xa9: {  	[dreg:$0x3] =	wrdreg s4  }
0xaa: {  	[dreg:$0x4] =	wrdreg $0xC0  }
0xab: {  	_ =	task [dreg:s6], $0x5FFFF  }
0xac: {  	[dreg:$0x1] =	wrdreg $0xFFFFFFFF  }
0xad: {  	[dreg:$0x0] =	wrdreg $0x60  }
0xae: {  	[dreg:$0x2] =	wrdreg s24  }
0xaf: {  	[dreg:$0x3] =	wrdreg $0x9  }
0xb0: {  	_ =	task.clear_ibuf [dreg:s6], $0x4FFFF;
	_ =	strace $0x90000049  }
0xb1: {  	s29 =	simm.s32 $0x9;
	_ =	strace $0x8000004B  }
0xb2: {  	_ =	swait.ge [sflag:s29], $0x1  }
0xb3: {  	[sflag:s29] =	ssyncadd.s32 $0xFFFFFFFF  }
0xb4: {  	_ =	strace $0x9000004B  }
0xb5: {  	_ =	sfence  }
0xb6: {  	s30 =	sld [smem:$0x0];
	_ =	sdelay $0x2  }
0xb7: {  	s31 =	sshll.u32 s1, $0xD;
	s1 =	sshrl.u32 s1, $0x2  }
0xb8: {  	s3 =	sand.u32 $0x4000, s31;
	s1 =	sadd.s32 s1, s30  }
0xb9: {  	s0 =	sor.u32 s3, s0;
	s1 =	sshll.u32 s1, $0x11  }
0xba: {  	s0 =	sor.u32 s1, s0  }
0xbb: {  	s0 =	sadd.s32 $0x8F2B, s0  }
0xbc: {  	[sflag:s0] =	ssyncadd.remote.s32 $0x1  }
0xbd: {  	_ =	sfence.sel $0xFFFF  }
0xbe: {  	[dreg:$0x0] =	wrdreg $0xFFFFFFFF;
	(pc) =	sbr.abs _section_cstart, $3  }
0xbf: {  	[dreg:$0x1] =	wrdreg $0xFFFFFFFF  }
0xc0: {  	_ =	task.clear_ibuf [dreg:s6], $0x2FFFF;
	_ =	strace $0x9FFFFFFF  }
0xc1: {  	(tm) =	ssettm $0x7FFFFFFF  }
tec
execute0_lowered:
.L_overlay_start_1:
0x0: {  	(tag) =	ssettag $0x1  }
0x1: {  	s4 =	rddreg [dreg:$0x0]  }
0x2: {  	s0 =	rddreg [dreg:$0x1];
	s2 =	simm.s32 $0x0;
	s3 =	srdreg.scid  }
0x3: {  	s1 =	stileid.u32;
	s10 =	simm.s32 $0x0;
	[smem:$0x7FF] =	sst s2  }
0x4: {  	s5 =	sand.u32 $0x1, s3;
	s6 =	sshll.u32 s1, $0xC;
	s3 =	sadd.s32 $0x8200, s4  }
0x5: {  	s8 =	sshll.u32 s1, $0x10;
	_ =	strace $0x8000004A;
	s7 =	sshll.u32 s5, $0xB  }
0x6: {  	s31 =	ssub.s32 $0x2, s5;
	s8 =	sadd.s32 s8, s4;
	s5 =	sshll.u32 s5, $0xF  }
0x7: {  	s6 =	sor.u32 s7, s6;
	s9 =	sshrl.u32 s31, $0x1;
	s5 =	sadd.s32 s5, s8  }
0x8: {  	s8 =	simm.s32 $0x80;
	s6 =	sshrl.u32 s6, $0x3;
	s7 =	ssub.s32 s31, s9  }
0x9: {  	s5 =	sadd.s32 $0x10200, s5;
	s9 =	simm.s32 $0x1;
	s6 =	sadd.s32 s6, s4  }
0xa: {  	s4 =	smax.u32 s7, $0x1;
	s7 =	simm.s32 $0x2;
	s6 =	sadd.s32 $0x6200, s6  }
.LBB2_1:
0xb: {  	s11 =	sadd.s32 $0x0, s6  }
0xc: {  	[tilespmem:s2], [sflag:$0x2] =	stream.linear.gather [hbm4b:s11+s2], $0x80, $0x38;
	[tilespmem:$0x4080] =	vst v63  }
0xd: {  	_ =	swait.ge [sflag:s7], $0x80  }
0xe: {  	[sflag:s7] =	ssyncset.done $0x0  }
0xf: {  	[sflag:s7] =	ssyncadd.s32 $0xFFFFFF80  }
0x10: {  	[tilespmem:s8], [sflag:$0x1] =	stream.indirect.gather [hbm4b:s3+s8], $0x80, s2, s8, $0xb8;
	[tilespmem:$0x4080] =	vst v63  }
0x11: {  	_ =	swait.ge [sflag:s9], $0x4000  }
0x12: {  	[sflag:s9] =	ssyncset.done $0x0  }
0x13: {  	[sflag:s9] =	ssyncadd.s32 $0xFFFFC000  }
0x14: {  	[hbm4b:s5+s2] =	stream.linear.scatter [tilespmem:s8], [sflag:$0x2], $0x4000, $0x38;
	[tilespmem:$0x4080] =	vst v63  }
0x15: {  	s12 =	simm.s32 $0x10;
	_ =	swait.ge [sflag:s7], $0x4000  }
0x16: {  	s13 =	simm.s32 $0x20;
	s11 =	sadd.s32 $0x800, s5;
	[sflag:s7] =	ssyncset.done $0x0  }
.LBB2_2:
0x17: {  	s14 =	sadd.s32 s12, s6  }
0x18: {  	[sflag:s7] =	ssyncadd.s32 $0xFFFFC000;
	s12 =	smov.u32 s13;
	s15 =	sadd.s32 $0x10, s13  }
0x19: {  	[tilespmem:s2], [sflag:$0x2] =	stream.linear.gather [hbm4b:s14+s2], $0x80, $0x38;
	[tilespmem:$0x4080] =	vst v63  }
0x1a: {  	p0 =	sne.s32 s13, $0xF0;
	_ =	swait.ge [sflag:s7], $0x80  }
0x1b: {  	[sflag:s7] =	ssyncset.done $0x0  }
0x1c: {  	[sflag:s7] =	ssyncadd.s32 $0xFFFFFF80  }
0x1d: {  	[tilespmem:s8], [sflag:$0x1] =	stream.indirect.gather [hbm4b:s3+s8], $0x80, s2, s8, $0xb8;
	[tilespmem:$0x4080] =	vst v63  }
0x1e: {  	_ =	swait.ge [sflag:s9], $0x4000  }
.Ltmp0:
0x1f: {  	[sflag:s9] =	ssyncset.done $0x0;
	(pc) =	sbr.rel @p0 .LBB2_2-.Ltmp0, $4  }
0x20: {  	[sflag:s9] =	ssyncadd.s32 $0xFFFFC000  }
0x21: {  	[hbm4b:s11+s2] =	stream.linear.scatter [tilespmem:s8], [sflag:$0x2], $0x4000, $0x38;
	[tilespmem:$0x4080] =	vst v63  }
0x22: {  	_ =	swait.ge [sflag:s7], $0x4000  }
0x23: {  	s13 =	smov.u32 s15;
	s11 =	sadd.s32 $0x800, s11;
	[sflag:s7] =	ssyncset.done $0x0  }
0x24: {  	s12 =	sadd.s32 s12, s6;
	[sflag:s7] =	ssyncadd.s32 $0xFFFFC000  }
0x25: {  	[tilespmem:s2], [sflag:$0x2] =	stream.linear.gather [hbm4b:s12+s2], $0x80, $0x38;
	[tilespmem:$0x4080] =	vst v63  }
0x26: {  	_ =	swait.ge [sflag:s7], $0x80  }
0x27: {  	[sflag:s7] =	ssyncset.done $0x0  }
0x28: {  	[sflag:s7] =	ssyncadd.s32 $0xFFFFFF80  }
0x29: {  	[tilespmem:s8], [sflag:$0x1] =	stream.indirect.gather [hbm4b:s3+s8], $0x80, s2, s8, $0xb8;
	[tilespmem:$0x4080] =	vst v63  }
0x2a: {  	s10 =	sadd.s32 $0x1, s10;
	_ =	swait.ge [sflag:s9], $0x4000  }
0x2b: {  	p0 =	sne.s32 s10, s4;
	[sflag:s9] =	ssyncset.done $0x0  }
.Ltmp1:
0x2c: {  	[sflag:s9] =	ssyncadd.s32 $0xFFFFC000;
	(pc) =	sbr.rel @p0 .LBB2_1-.Ltmp1, $4  }
0x2d: {  	[hbm4b:s11+s2] =	stream.linear.scatter [tilespmem:s8], [sflag:$0x2], $0x4000, $0x38;
	[tilespmem:$0x4080] =	vst v63  }
0x2e: {  	_ =	swait.ge [sflag:s7], $0x4000  }
0x2f: {  	[sflag:s7] =	ssyncset.done $0x0  }
0x30: {  	[sflag:s7] =	ssyncadd.s32 $0xFFFFC000  }
0x31: {  	_ =	sfence.sel $0x180000  }
0x32: {  	[bflag:$0x0] =	sbarrier.arrive $0xFFFF  }
0x33: {  	p0 =	sne.s32 s1, $0x0;
	_ =	strace $0x9000004A  }
0x34: {  	s0 =	sadd.s32 @!p0 $0x100000, s0;
	[bflag:$0x2] =	sbarrier.arrive $0xFFFF  }
0x35: {  	[sflag:s0] =	ssyncadd.tile.s32 @!p0 $0x1;
	_ =	shalt  }
.Lfunc_end2:
_tile_overlayer_lowered:
.L_overlay_start_2:
0x36: {  	(tag) =	ssettag $0x2  }
0x37: {  	s0 =	rddreg [dreg:$0x0];
	s2 =	stileid.u32  }
0x38: {  	s1 =	rddreg [dreg:$0x1];
	p0 =	sne.s32 s2, $0x0  }
0x39: {  	s3 =	rddreg [dreg:$0x2];
	[bflag:$0x3] =	sbarrier.arrive $0xFFFF;
	s2 =	simm.s32 @!p0 $0x1C02  }
0x3a: {  	[timem:s3], [sflag:s2] =	dma.local @!p0 [hbm:s0], s1  }
0x3b: {  	s0 =	simm.s32 @!p0 $0x2  }
0x3c: {  	_ =	swait.ge @!p0 [sflag:s0], s1  }
0x3d: {  	s1 =	ssub.s32 @!p0 $0x0, s1;
	[sflag:s0] =	ssyncset.done @!p0 $0x0  }
0x3e: {  	[sflag:s0] =	ssyncadd.s32 @!p0 s1  }
0x3f: {  	[bflag:$0x3] =	sbarrier.arrive $0xFFFF  }
0x40: {  	_ =	shalt  }

// kernel: kernel.21.cloned.1.call-start
scs
__scs_entry_jumppad:
0x0: {  	(pc) =	sbr.rel $0x88, $3  }
0x1: {  	(tag) =	ssettag $0x0;
	lr =	simm.s32 $0x1  }
0x2: {  	[smem:$0x3F7D] =	sst lr;
	_ =	strace $0xD0000000  }
0x3: {  	_ = 	snop  }
0x4: {  	_ = 	snop  }
0x5: {  	_ = 	snop  }
0x6: {  	_ = 	snop  }
0x7: {  	_ = 	snop  }
__scs_overlays_trampoline_lowered:
0x8: {  	[smem:$0x3F8C] =	sst s0  }
0x9: {  	[smem:$0x3F8D] =	sst s1  }
0xa: {  	[smem:$0x3F8E] =	sst s2  }
0xb: {  	[smem:$0x3F8F] =	sst s3  }
0xc: {  	[smem:$0x3F90] =	sst s4  }
0xd: {  	[smem:$0x3F91] =	sst s5  }
0xe: {  	[smem:$0x3F92] =	sst s6  }
0xf: {  	[smem:$0x3F93] =	sst s7  }
0x10: {  	[smem:$0x3F94] =	sst s8  }
0x11: {  	[smem:$0x3F95] =	sst s9;
	s0 =	simm.s32 @!p0 $0x0  }
0x12: {  	s1 =	sld [smem:$0x3F7B];
	s0 =	simm.s32 @p0 $0x1  }
0x13: {  	[smem:$0x3F96] =	sst s0;
	s0 =	simm.s32 @!p1 $0x0  }
0x14: {  	s2 =	sld [smem:$0x3F7A];
	s0 =	simm.s32 @p1 $0x1  }
0x15: {  	[smem:$0x3F97] =	sst s0;
	s0 =	simm.s32 @!p2 $0x0  }
0x16: {  	s3 =	sld [smem:$0x3FDB];
	s0 =	simm.s32 @p2 $0x1  }
0x17: {  	s4 =	simm.s32 $0x1BF5;
	[smem:$0x3F99] =	sst s0  }
0x18: {  	s0 =	sld [smem:$0x3F7C];
	_ =	swait.ge [sflag:s4], $0x0  }
0x19: {  	s7 =	sld [smem:$0x3F7D]  }
0x1a: {  	s8 =	sadd.s32 $0xFFFFE003, lr  }
0x1b: {  	s9 =	sadd.s32 $0xFFFFFEF7, lr;
	s5 =	simm.s32 $0xFFFFFFFF;
	p2 =	slt.u32 s8, $0xFFFFF086  }
0x1c: {  	p1 =	slt.u32 s9, $0xF7A;
	s5 =	simm.s32 @!p2 $0x0  }
0x1d: {  	s5 =	simm.s32 @p1 $0x1;
	p0 =	seq.s32 s7, s2  }
0x1e: {  	s7 =	smul.u32 @!p0 $0xF7A, s2;
	p2 =	seq.s32 @!p0 s5, $0x0  }
0x1f: {  	s9 =	smul.u32 $0xF7A, s1;
	s8 =	simm.s32 @!p0 $0x1BF5;
	p2 =	por !p2, p0  }
0x20: {  	[sflag:s8] =	ssyncset.s32 @!p0 $0xFFFFF086;
	s6 =	sadd.s32 @!p0 s3, s7;
	s7 =	simm.s32 @!p0 $0x108  }
0x21: {  	s3 =	sadd.s32 s3, s9;
	s6 =	sadd.s32 @!p0 $0x88, s6;
	s7 =	simm.s32 @p2 $0x1082  }
0x22: {  	[simem:s7], [sflag:s8] =	dma.local @!p0 [hbm:s6], $0xF7A  }
0x23: {  	s9 =	sor.u32 $0xD0000000, s2;
	s6 =	simm.s32 $0x108;
	_ =	swait.ge @!p0 [sflag:s8], $0x0  }
0x24: {  	s3 =	sadd.s32 $0x88, s3;
	s6 =	simm.s32 @!p1 $0x1082;
	[sflag:s4] =	ssyncset.s32 $0xFFFFF086  }
0x25: {  	[simem:s6], [sflag:s4] =	dma.local [hbm:s3], $0xF7A  }
0x26: {  	[smem:$0x3F7D] =	sst s1;
	(tag) =	ssettag s2;
	_ =	strace s9  }
0x27: {  	s1 =	sld [smem:$0x3F8D]  }
0x28: {  	s2 =	sld [smem:$0x3F8E]  }
0x29: {  	s4 =	sld [smem:$0x3F90]  }
0x2a: {  	p0 =	seq.s32 s5, $0x0;
	s5 =	sld [smem:$0x3F91]  }
0x2b: {  	s6 =	sld [smem:$0x3F92]  }
0x2c: {  	s7 =	sld [smem:$0x3F93]  }
0x2d: {  	s3 =	simm.s32 $0x108;
	s8 =	sld [smem:$0x3F94]  }
0x2e: {  	s3 =	simm.s32 @!p0 $0x1082;
	s9 =	sld [smem:$0x3F95]  }
0x2f: {  	lr =	sadd.s32 s0, s3;
	s0 =	sld [smem:$0x3F8C]  }
0x30: {  	s3 =	sld [smem:$0x3F8F]  }
0x31: {  	[smem:$0x3F98] =	sst s10  }
0x32: {  	s10 =	sld [smem:$0x3F96];
	_ =	sdelay $0x3  }
0x33: {  	p0 =	seq.s32 s10, $0x1;
	s10 =	sld [smem:$0x3F98];
	_ =	sdelay $0x3  }
0x34: {  	[smem:$0x3F98] =	sst s10  }
0x35: {  	s10 =	sld [smem:$0x3F97];
	_ =	sdelay $0x3  }
0x36: {  	p1 =	seq.s32 s10, $0x1;
	s10 =	sld [smem:$0x3F98];
	_ =	sdelay $0x3  }
0x37: {  	[smem:$0x3F98] =	sst s10  }
0x38: {  	s10 =	sld [smem:$0x3F99]  }
0x39: {  	_ = 	snop;
	(pc) =	sbr.ind lr, $3  }
0x3a: {  	_ = 	snop  }
0x3b: {  	_ = 	snop  }
0x3c: {  	p2 =	seq.s32 s10, $0x1;
	s10 =	sld [smem:$0x3F98]  }
0x3d: {  	_ =	shalt  }
0x3e: {  	_ =	shalt  }
0x3f: {  	_ =	shalt  }
0x40: {  	_ =	shalt  }
0x41: {  	_ =	shalt  }
0x42: {  	_ =	shalt  }
0x43: {  	_ =	shalt  }
0x44: {  	_ =	shalt  }
0x45: {  	_ =	shalt  }
0x46: {  	_ =	shalt  }
0x47: {  	_ =	shalt  }
0x48: {  	_ =	shalt  }
0x49: {  	_ =	shalt  }
0x4a: {  	_ =	shalt  }
0x4b: {  	_ =	shalt  }
0x4c: {  	_ =	shalt  }
0x4d: {  	_ =	shalt  }
0x4e: {  	_ =	shalt  }
0x4f: {  	_ =	shalt  }
0x50: {  	_ =	shalt  }
0x51: {  	_ =	shalt  }
0x52: {  	_ =	shalt  }
0x53: {  	_ =	shalt  }
0x54: {  	_ =	shalt  }
0x55: {  	_ =	shalt  }
0x56: {  	_ =	shalt  }
0x57: {  	_ =	shalt  }
0x58: {  	_ =	shalt  }
0x59: {  	_ =	shalt  }
0x5a: {  	_ =	shalt  }
0x5b: {  	_ =	shalt  }
0x5c: {  	_ =	shalt  }
0x5d: {  	_ =	shalt  }
0x5e: {  	_ =	shalt  }
0x5f: {  	_ =	shalt  }
0x60: {  	_ =	shalt  }
0x61: {  	_ =	shalt  }
0x62: {  	_ =	shalt  }
0x63: {  	_ =	shalt  }
0x64: {  	_ =	shalt  }
0x65: {  	_ =	shalt  }
0x66: {  	_ =	shalt  }
0x67: {  	_ =	shalt  }
0x68: {  	_ =	shalt  }
0x69: {  	_ =	shalt  }
0x6a: {  	_ =	shalt  }
0x6b: {  	_ =	shalt  }
0x6c: {  	_ =	shalt  }
0x6d: {  	_ =	shalt  }
0x6e: {  	_ =	shalt  }
0x6f: {  	_ =	shalt  }
0x70: {  	_ =	shalt  }
0x71: {  	_ =	shalt  }
0x72: {  	_ =	shalt  }
0x73: {  	_ =	shalt  }
0x74: {  	_ =	shalt  }
0x75: {  	_ =	shalt  }
0x76: {  	_ =	shalt  }
0x77: {  	_ =	shalt  }
0x78: {  	_ =	shalt  }
0x79: {  	_ =	shalt  }
0x7a: {  	_ =	shalt  }
0x7b: {  	_ =	shalt  }
0x7c: {  	_ =	shalt  }
0x7d: {  	_ =	shalt  }
0x7e: {  	_ =	shalt  }
0x7f: {  	_ =	shalt  }
0x80: {  	_ =	shalt  }
0x81: {  	_ =	shalt  }
0x82: {  	_ =	shalt  }
0x83: {  	_ =	shalt  }
0x84: {  	_ =	shalt  }
0x85: {  	_ =	shalt  }
0x86: {  	_ =	shalt  }
0x87: {  	_ =	shalt  }
.Lfunc_end0:
.L_simem_size_0:
called_computation.2_lowered:
.L_overlay_start_0:
0x88: {  	s2 =	sld [smem:$0x3FD9]  }
0x89: {  	s3 =	sld [smem:$0x3FFE];
	_ =	sdelay $0x1  }
0x8a: {  	s1 =	srdreg.scid  }
0x8b: {  	s0 =	sand.u32 $0x1, s1  }
0x8c: {  	s16 =	sshll.u32 s0, $0xA;
	s2 =	sadd.s32 s3, s2  }
0x8d: {  	s2 =	sadd.s32 s2, s16  }
0x8e: {  	[smem:$0x3FA4] =	sst s2  }
0x8f: {  	_ = 	snop  }
0x90: {  	(tm) =	ssettm $0x1  }
0x91: {  	s17 =	sld [smem:$0x3FFB];
	_ =	sdelay $0x3  }
0x92: {  	_ =	strace s17  }
0x93: {  	s2 =	sld [smem:$0x3FFC];
	_ =	sdelay $0x3  }
0x94: {  	_ =	strace s2  }
0x95: {  	s2 =	sld [smem:$0x3FFD];
	_ =	sdelay $0x3  }
0x96: {  	_ =	strace s2  }
0x97: {  	_ =	strace $0x8FFFFFFF  }
0x98: {  	s18 =	sld [smem:$0x3FDB];
	_ =	sdelay $0x1  }
0x99: {  	s19 =	simm.s32 $_scs_section_size  }
0x9a: {  	s4 =	simm.s32 $_size__tile_overlayer_lowered;
	s5 =	simm.s32 $_tile_overlayer_lowered  }
0x9b: {  	s22 =	simm.s32 $0x1BFF;
	s21 =	sshll.u32 s5, $0x1;
	s2 =	sadd.s32 s19, s18  }
0x9c: {  	s6 =	simm.s32 $0x0;
	s20 =	sshll.u32 s4, $0x1;
	s4 =	sadd.s32 s21, s2  }
0x9d: {  	[timem:s6], [sflag:s22] =	dma.local [hbm:s4], s20  }
0x9e: {  	_ =	swait.ge [sflag:s22], s20  }
0x9f: {  	s3 =	ssub.s32 $0x0, s20;
	[sflag:s22] =	ssyncset.done $0x0  }
0xa0: {  	[sflag:s22] =	ssyncadd.s32 s3;
	_ =	sdelay $0x1  }
0xa1: {  	s23 =	simm.s32 $0x1B8B  }
0xa2: {  	_ =	swait.ge [sflag:s23], $0x1  }
0xa3: {  	[sflag:s23] =	ssyncset.done $0x0  }
0xa4: {  	s25 =	simm.s32 $0x1B8E;
	s24 =	sld [smem:$0x3FFE];
	[sflag:s23] =	ssyncadd.s32 $0xFFFFFFFF  }
0xa5: {  	s26 =	simm.s32 $execute0_lowered;
	[smem:$0x3FD2] =	sst s25  }
0xa6: {  	s4 =	sshll.u32 s26, $0x1;
	_ =	strace $0x8000004C;
	[dreg:$0x1] =	wrdreg $0xFFFFFFFF  }
0xa7: {  	s28 =	simm.s32 $_size_execute0_lowered;
	s2 =	sadd.s32 s2, s4;
	[dreg:$0x0] =	wrdreg $0x0  }
0xa8: {  	s4 =	sshll.u32 s28, $0x1;
	[dreg:$0x2] =	wrdreg s2  }
0xa9: {  	[dreg:$0x3] =	wrdreg s4  }
0xaa: {  	[dreg:$0x4] =	wrdreg $0xC0  }
0xab: {  	_ =	task [dreg:s6], $0x5FFFF  }
0xac: {  	[dreg:$0x1] =	wrdreg $0xFFFFFFFF  }
0xad: {  	[dreg:$0x0] =	wrdreg $0x60  }
0xae: {  	[dreg:$0x2] =	wrdreg s24  }
0xaf: {  	[dreg:$0x3] =	wrdreg $0x9  }
0xb0: {  	_ =	task.clear_ibuf [dreg:s6], $0x4FFFF;
	_ =	strace $0x9000004C  }
0xb1: {  	s29 =	simm.s32 $0x9;
	_ =	strace $0x8000004E  }
0xb2: {  	_ =	swait.ge [sflag:s29], $0x1  }
0xb3: {  	[sflag:s29] =	ssyncadd.s32 $0xFFFFFFFF  }
0xb4: {  	_ =	strace $0x9000004E  }
0xb5: {  	_ =	sfence  }
0xb6: {  	s30 =	sld [smem:$0x0];
	_ =	sdelay $0x2  }
0xb7: {  	s31 =	sshll.u32 s1, $0xD;
	s1 =	sshrl.u32 s1, $0x2  }
0xb8: {  	s3 =	sand.u32 $0x4000, s31;
	s1 =	sadd.s32 s1, s30  }
0xb9: {  	s0 =	sor.u32 s3, s0;
	s1 =	sshll.u32 s1, $0x11  }
0xba: {  	s0 =	sor.u32 s1, s0  }
0xbb: {  	s0 =	sadd.s32 $0x8F2B, s0  }
0xbc: {  	[sflag:s0] =	ssyncadd.remote.s32 $0x1  }
0xbd: {  	_ =	sfence.sel $0xFFFF  }
0xbe: {  	[dreg:$0x0] =	wrdreg $0xFFFFFFFF;
	(pc) =	sbr.abs _section_cstart, $3  }
0xbf: {  	[dreg:$0x1] =	wrdreg $0xFFFFFFFF  }
0xc0: {  	_ =	task.clear_ibuf [dreg:s6], $0x2FFFF;
	_ =	strace $0x9FFFFFFF  }
0xc1: {  	(tm) =	ssettm $0x7FFFFFFF  }
tec
execute0_lowered:
.L_overlay_start_1:
0x0: {  	(tag) =	ssettag $0x1  }
0x1: {  	s4 =	rddreg [dreg:$0x0]  }
0x2: {  	s0 =	rddreg [dreg:$0x1];
	s2 =	simm.s32 $0x0;
	s3 =	srdreg.scid  }
0x3: {  	s1 =	stileid.u32;
	s10 =	simm.s32 $0x0;
	[smem:$0x7FF] =	sst s2  }
0x4: {  	s5 =	sand.u32 $0x1, s3;
	s6 =	sshll.u32 s1, $0xC;
	s3 =	sadd.s32 $0x8200, s4  }
0x5: {  	s8 =	sshll.u32 s1, $0x10;
	_ =	strace $0x8000004D;
	s7 =	sshll.u32 s5, $0xB  }
0x6: {  	s31 =	ssub.s32 $0x2, s5;
	s8 =	sadd.s32 s8, s4;
	s5 =	sshll.u32 s5, $0xF  }
0x7: {  	s6 =	sor.u32 s7, s6;
	s9 =	sshrl.u32 s31, $0x1;
	s5 =	sadd.s32 s5, s8  }
0x8: {  	s8 =	simm.s32 $0x80;
	s6 =	sshrl.u32 s6, $0x3;
	s7 =	ssub.s32 s31, s9  }
0x9: {  	s5 =	sadd.s32 $0x10200, s5;
	s9 =	simm.s32 $0x1;
	s6 =	sadd.s32 s6, s4  }
0xa: {  	s4 =	smax.u32 s7, $0x1;
	s7 =	simm.s32 $0x2;
	s6 =	sadd.s32 $0x6200, s6  }
.LBB2_1:
0xb: {  	s11 =	sadd.s32 $0x0, s6  }
0xc: {  	[tilespmem:s2], [sflag:$0x2] =	stream.linear.gather [hbm4b:s11+s2], $0x80, $0x38;
	[tilespmem:$0x4080] =	vst v63  }
0xd: {  	_ =	swait.ge [sflag:s7], $0x80  }
0xe: {  	[sflag:s7] =	ssyncset.done $0x0  }
0xf: {  	[sflag:s7] =	ssyncadd.s32 $0xFFFFFF80  }
0x10: {  	[tilespmem:s8], [sflag:$0x1] =	stream.indirect.gather [hbm4b:s3+s8], $0x80, s2, s8, $0xb8;
	[tilespmem:$0x4080] =	vst v63  }
0x11: {  	_ =	swait.ge [sflag:s9], $0x4000  }
0x12: {  	[sflag:s9] =	ssyncset.done $0x0  }
0x13: {  	[sflag:s9] =	ssyncadd.s32 $0xFFFFC000  }
0x14: {  	[hbm4b:s5+s2] =	stream.linear.scatter [tilespmem:s8], [sflag:$0x2], $0x4000, $0x38;
	[tilespmem:$0x4080] =	vst v63  }
0x15: {  	s12 =	simm.s32 $0x10;
	_ =	swait.ge [sflag:s7], $0x4000  }
0x16: {  	s13 =	simm.s32 $0x20;
	s11 =	sadd.s32 $0x800, s5;
	[sflag:s7] =	ssyncset.done $0x0  }
.LBB2_2:
0x17: {  	s14 =	sadd.s32 s12, s6  }
0x18: {  	[sflag:s7] =	ssyncadd.s32 $0xFFFFC000;
	s12 =	smov.u32 s13;
	s15 =	sadd.s32 $0x10, s13  }
0x19: {  	[tilespmem:s2], [sflag:$0x2] =	stream.linear.gather [hbm4b:s14+s2], $0x80, $0x38;
	[tilespmem:$0x4080] =	vst v63  }
0x1a: {  	p0 =	sne.s32 s13, $0xF0;
	_ =	swait.ge [sflag:s7], $0x80  }
0x1b: {  	[sflag:s7] =	ssyncset.done $0x0  }
0x1c: {  	[sflag:s7] =	ssyncadd.s32 $0xFFFFFF80  }
0x1d: {  	[tilespmem:s8], [sflag:$0x1] =	stream.indirect.gather [hbm4b:s3+s8], $0x80, s2, s8, $0xb8;
	[tilespmem:$0x4080] =	vst v63  }
0x1e: {  	_ =	swait.ge [sflag:s9], $0x4000  }
.Ltmp0:
0x1f: {  	[sflag:s9] =	ssyncset.done $0x0;
	(pc) =	sbr.rel @p0 .LBB2_2-.Ltmp0, $4  }
0x20: {  	[sflag:s9] =	ssyncadd.s32 $0xFFFFC000  }
0x21: {  	[hbm4b:s11+s2] =	stream.linear.scatter [tilespmem:s8], [sflag:$0x2], $0x4000, $0x38;
	[tilespmem:$0x4080] =	vst v63  }
0x22: {  	_ =	swait.ge [sflag:s7], $0x4000  }
0x23: {  	s13 =	smov.u32 s15;
	s11 =	sadd.s32 $0x800, s11;
	[sflag:s7] =	ssyncset.done $0x0  }
0x24: {  	s12 =	sadd.s32 s12, s6;
	[sflag:s7] =	ssyncadd.s32 $0xFFFFC000  }
0x25: {  	[tilespmem:s2], [sflag:$0x2] =	stream.linear.gather [hbm4b:s12+s2], $0x80, $0x38;
	[tilespmem:$0x4080] =	vst v63  }
0x26: {  	_ =	swait.ge [sflag:s7], $0x80  }
0x27: {  	[sflag:s7] =	ssyncset.done $0x0  }
0x28: {  	[sflag:s7] =	ssyncadd.s32 $0xFFFFFF80  }
0x29: {  	[tilespmem:s8], [sflag:$0x1] =	stream.indirect.gather [hbm4b:s3+s8], $0x80, s2, s8, $0xb8;
	[tilespmem:$0x4080] =	vst v63  }
0x2a: {  	s10 =	sadd.s32 $0x1, s10;
	_ =	swait.ge [sflag:s9], $0x4000  }
0x2b: {  	p0 =	sne.s32 s10, s4;
	[sflag:s9] =	ssyncset.done $0x0  }
.Ltmp1:
0x2c: {  	[sflag:s9] =	ssyncadd.s32 $0xFFFFC000;
	(pc) =	sbr.rel @p0 .LBB2_1-.Ltmp1, $4  }
0x2d: {  	[hbm4b:s11+s2] =	stream.linear.scatter [tilespmem:s8], [sflag:$0x2], $0x4000, $0x38;
	[tilespmem:$0x4080] =	vst v63  }
0x2e: {  	_ =	swait.ge [sflag:s7], $0x4000  }
0x2f: {  	[sflag:s7] =	ssyncset.done $0x0  }
0x30: {  	[sflag:s7] =	ssyncadd.s32 $0xFFFFC000  }
0x31: {  	_ =	sfence.sel $0x180000  }
0x32: {  	[bflag:$0x0] =	sbarrier.arrive $0xFFFF  }
0x33: {  	p0 =	sne.s32 s1, $0x0;
	_ =	strace $0x9000004D  }
0x34: {  	s0 =	sadd.s32 @!p0 $0x100000, s0;
	[bflag:$0x2] =	sbarrier.arrive $0xFFFF  }
0x35: {  	[sflag:s0] =	ssyncadd.tile.s32 @!p0 $0x1;
	_ =	shalt  }
.Lfunc_end2:
_tile_overlayer_lowered:
.L_overlay_start_2:
0x36: {  	(tag) =	ssettag $0x2  }
0x37: {  	s0 =	rddreg [dreg:$0x0];
	s2 =	stileid.u32  }
0x38: {  	s1 =	rddreg [dreg:$0x1];
	p0 =	sne.s32 s2, $0x0  }
0x39: {  	s3 =	rddreg [dreg:$0x2];
	[bflag:$0x3] =	sbarrier.arrive $0xFFFF;
	s2 =	simm.s32 @!p0 $0x1C02  }
0x3a: {  	[timem:s3], [sflag:s2] =	dma.local @!p0 [hbm:s0], s1  }
0x3b: {  	s0 =	simm.s32 @!p0 $0x2  }
0x3c: {  	_ =	swait.ge @!p0 [sflag:s0], s1  }
0x3d: {  	s1 =	ssub.s32 @!p0 $0x0, s1;
	[sflag:s0] =	ssyncset.done @!p0 $0x0  }
0x3e: {  	[sflag:s0] =	ssyncadd.s32 @!p0 s1  }
0x3f: {  	[bflag:$0x3] =	sbarrier.arrive $0xFFFF  }
0x40: {  	_ =	shalt  }

</sc_bundles>
